<compile_context>
chip_gen: v7x
topology: tpu7x:2x2x1
jax: 0.10.2.dev20260603
libtpu: 0.0.44.dev20260713+nightly
codegen_flags: <defaults>
</compile_context>

<pallas_src>
import jax
import jax.numpy as jnp
from jax import lax
from jax.experimental import pallas as pl
from jax.experimental.pallas import tpu as pltpu
from jax.experimental.pallas import tpu_sc as plsc

_NC = 2
_NS = 16
_NW = _NC * _NS


def _sc_lookup(t2, idx, F, V, D, B):
    G = F * D
    per_w = G // _NW
    Q = B // 4
    d_shift = D.bit_length() - 1
    assert D == (1 << d_shift) and G % _NW == 0 and Q % 128 == 0
    mesh = plsc.VectorSubcoreMesh(core_axis_name="c", subcore_axis_name="s")

    @pl.kernel(
        out_type=jax.ShapeDtypeStruct((G, B), t2.dtype),
        mesh=mesh,
        compiler_params=pltpu.CompilerParams(needs_layout_passes=False,
                                             disable_bounds_checks=True),
        scratch_types=[
            pltpu.VMEM((V,), t2.dtype),
            pltpu.VMEM((B,), jnp.int32),
            pltpu.VMEM((Q,), t2.dtype),
            pltpu.VMEM((Q,), t2.dtype),
            pltpu.SMEM((1,), jnp.int32),
            pltpu.SemaphoreType.DMA,
            pltpu.SemaphoreType.DMA,
        ],
    )
    def k(t2_hbm, idx_hbm, out_hbm, tab_v, idx_v, out0, out1, fprev,
          tsem, osem):
        wid = lax.axis_index("s") * _NC + lax.axis_index("c")
        base = wid * per_w
        fprev[0] = jnp.int32(-1)
        pltpu.async_copy(t2_hbm.at[base], tab_v, tsem)

        @pl.loop(0, per_w)
        def _(u):
            g = base + u
            f = lax.shift_right_logical(g, d_shift)

            @pl.when(f != fprev[0])
            def _():
                pltpu.sync_copy(idx_hbm.at[f], idx_v)
                fprev[0] = f

            pltpu.make_async_copy(t2_hbm.at[g], tab_v, tsem).wait()

            for q in range(4):
                out_b = out0 if q % 2 == 0 else out1
                if q < 2:
                    @pl.when(u > 0)
                    def _():
                        pltpu.make_async_copy(
                            out_b, out_hbm.at[g, pl.ds(q * Q, Q)],
                            osem).wait()
                else:
                    pltpu.make_async_copy(
                        out_b, out_hbm.at[g, pl.ds(q * Q, Q)], osem).wait()

                @pl.loop(0, Q, step=128)
                def _(j):
                    offs = (0, 16, 32, 48, 64, 80, 96, 112)
                    idxs = [idx_v[pl.ds(q * Q + j + jj, 16)] for jj in offs]
                    vals = [plsc.load_gather(tab_v, [i16]) for i16 in idxs]
                    for jj, v in zip(offs, vals):
                        out_b[pl.ds(j + jj, 16)] = v

                pltpu.async_copy(out_b, out_hbm.at[g, pl.ds(q * Q, Q)],
                                 osem)

            @pl.when(u + 1 < per_w)
            def _():
                pltpu.async_copy(t2_hbm.at[g + 1], tab_v, tsem)

        for _ in range(2):
            pltpu.make_async_copy(out0, out_hbm.at[0, pl.ds(0, Q)],
                                  osem).wait()

    return k(t2, idx)


def kernel(inputs, tables):
    B, F = inputs.shape
    _, V, D = tables.shape
    t2 = tables.transpose(0, 2, 1).reshape(F * D, V)
    idx = inputs.T.astype(jnp.int32)
    out = _sc_lookup(t2, idx, F, V, D, B)
    return out.reshape(F, D, B).transpose(2, 0, 1)

# --- scband reference (transcript-rebuilt; emitter-appended) ---
"""Pipeline reference for scband-cat-input-block-68977174774281 (READ-ONLY COPY).

The authoritative reference and input builder live on the scoring server;
editing this copy changes nothing except your own understanding.
"""

import jax, jax.numpy as jnp
import numpy as np

B, F, V, D = 16384, 26, 100000, 32

def setup_inputs(seed: int = 0):
    key = jax.random.key(seed)
    k1, k2 = jax.random.split(key)
    inputs = jax.random.randint(k1, (B, F), 0, V, dtype=jnp.int64)
    # one embedding table per categorical field, stacked: [F, V, D]
    tables = jax.random.normal(k2, (F, V, D), dtype=jnp.float32) * 0.05
    return {"inputs": inputs, "tables": tables}

def reference(inputs, tables):
    # For each field i: embedding_layers[i](inputs[:, i]) -> [B, D]; then stack on axis=1 -> [B, F, D]
    out = jax.vmap(lambda t, idx: jnp.take(t, idx, axis=0), in_axes=(0, 1), out_axes=1)(tables, inputs)
    return out

if __name__ == "__main__":
    import jax
    _d = setup_inputs()
    print(jax.jit(kernel)(*tuple(_d.values())))

</pallas_src>

<mosaic_0001>
#map = affine_map<(d0, d1) -> (0, 0)>
module attributes {stable_mosaic.version = 14 : i64} {
  func.func @k(%arg0: i32, %arg1: i32, %arg2: memref<832x100000xf32, #tpu.memory_space<hbm>>, %arg3: memref<26x16384xi32, #tpu.memory_space<hbm>>, %arg4: memref<832x16384xf32, #tpu.memory_space<hbm>>, %arg5: memref<100000xf32, #tpu.memory_space<vmem>>, %arg6: memref<16384xi32, #tpu.memory_space<vmem>>, %arg7: memref<4096xf32, #tpu.memory_space<vmem>>, %arg8: memref<4096xf32, #tpu.memory_space<vmem>>, %arg9: memref<1xi32, #tpu.memory_space<smem>>, %arg10: memref<!tpu.dma_semaphore, #tpu.memory_space<semaphore_mem>>, %arg11: memref<!tpu.dma_semaphore, #tpu.memory_space<semaphore_mem>>) attributes {dimension_semantics = [#tpu.dimension_semantics<core_parallel>, #tpu.dimension_semantics<subcore_parallel>], iteration_bounds = array<i64: 2, 16>, scalar_prefetch = 0 : i64, scratch_operands = 7 : i64, tpu.core_type = #tpu.core_type<sc_vector_subcore>, window_params = [{transform_indices = #map}, {transform_indices = #map}, {transform_indices = #map}]} {
    %mul3A = arith.constant 2 : i32
    %mul3A_0 = arith.muli %arg1, %mul3A : i32
    %add3A = arith.addi %mul3A_0, %arg0 : i32
    %mul3A_1 = arith.constant 26 : i32
    %mul3A_2 = arith.muli %add3A, %mul3A_1 : i32
    %swap3A = arith.constant -1 : i32
    %swap3A_3 = arith.constant 0 : i32
    %swap3A_4 = arith.index_cast %swap3A_3 : i32 to index
    %swap3A_5 = memref.load %arg9[%swap3A_4] : memref<1xi32, #tpu.memory_space<smem>>
    memref.store %swap3A, %arg9[%swap3A_4] : memref<1xi32, #tpu.memory_space<smem>>
    %dma_start3A = arith.constant 0 : i32
    %dma_start3A_6 = tpu.memref_slice %arg2[%mul3A_2, %dma_start3A] : memref<832x100000xf32, #tpu.memory_space<hbm>> -> memref<1x100000xf32, #tpu.memory_space<hbm>>
    %dma_start3A_7 = tpu.memref_squeeze %dma_start3A_6 : memref<1x100000xf32, #tpu.memory_space<hbm>> -> memref<100000xf32, #tpu.memory_space<hbm>>
    %dma_start3A_8 = arith.constant 0 : i32
    %dma_start3A_9 = tpu.memref_slice %arg2[%mul3A_2, %dma_start3A_8] : memref<832x100000xf32, #tpu.memory_space<hbm>> -> memref<1x100000xf32, #tpu.memory_space<hbm>>
    %dma_start3A_10 = tpu.memref_squeeze %dma_start3A_9 : memref<1x100000xf32, #tpu.memory_space<hbm>> -> memref<100000xf32, #tpu.memory_space<hbm>>
    tpu.enqueue_dma source(%dma_start3A_10 : memref<100000xf32, #tpu.memory_space<hbm>>) target(%arg5 : memref<100000xf32, #tpu.memory_space<vmem>>) target_semaphore(%arg10 : memref<!tpu.dma_semaphore, #tpu.memory_space<semaphore_mem>>)
    %scan3A = arith.constant 0 : i32
    %scan3A_11 = arith.constant 26 : i32
    %scan3A_12 = arith.addi %scan3A, %scan3A_11 : i32
    %scan3A_13 = arith.constant 1 : i32
    scf.for %scan3A_28 = %scan3A to %scan3A_12 step %scan3A_13  : i32 {
      %mul3A_29 = arith.constant 1 : i32
      %mul3A_30 = arith.muli %scan3A_28, %mul3A_29 : i32
      %add3A_31 = arith.constant 0 : i32
      %add3A_32 = arith.addi %add3A_31, %mul3A_30 : i32
      %add3A_33 = arith.addi %mul3A_2, %add3A_32 : i32
      %shift_right_logical3A = arith.constant 5 : i32
      %shift_right_logical3A_34 = arith.shrui %add3A_33, %shift_right_logical3A : i32
      %get3A = arith.constant 0 : i32
      %get3A_35 = arith.index_cast %get3A : i32 to index
      %get3A_36 = memref.load %arg9[%get3A_35] : memref<1xi32, #tpu.memory_space<smem>>
      %ne3A = arith.cmpi ne, %shift_right_logical3A_34, %get3A_36 : i32
      %convert_element_type3A = arith.extui %ne3A : i1 to i32
      %cond3A = arith.constant 0 : i32
      %cond3A_37 = arith.cmpi ne, %convert_element_type3A, %cond3A : i32
      scf.if %cond3A_37 {
        "tpu.region"() ({
          %run_scoped3A = tpu.sem_alloc : memref<!tpu.dma_semaphore, #tpu.memory_space<semaphore_mem>>
          %dma_start3A_118 = arith.constant 0 : i32
          %dma_start3A_119 = tpu.memref_slice %arg3[%shift_right_logical3A_34, %dma_start3A_118] : memref<26x16384xi32, #tpu.memory_space<hbm>> -> memref<1x16384xi32, #tpu.memory_space<hbm>>
          %dma_start3A_120 = tpu.memref_squeeze %dma_start3A_119 : memref<1x16384xi32, #tpu.memory_space<hbm>> -> memref<16384xi32, #tpu.memory_space<hbm>>
          %dma_start3A_121 = arith.constant 0 : i32
          %dma_start3A_122 = tpu.memref_slice %arg3[%shift_right_logical3A_34, %dma_start3A_121] : memref<26x16384xi32, #tpu.memory_space<hbm>> -> memref<1x16384xi32, #tpu.memory_space<hbm>>
          %dma_start3A_123 = tpu.memref_squeeze %dma_start3A_122 : memref<1x16384xi32, #tpu.memory_space<hbm>> -> memref<16384xi32, #tpu.memory_space<hbm>>
          tpu.enqueue_dma source(%dma_start3A_123 : memref<16384xi32, #tpu.memory_space<hbm>>) target(%arg6 : memref<16384xi32, #tpu.memory_space<vmem>>) target_semaphore(%run_scoped3A : memref<!tpu.dma_semaphore, #tpu.memory_space<semaphore_mem>>)
          %dma_wait3A_124 = arith.constant 0 : i32
          %dma_wait3A_125 = tpu.memref_slice %arg3[%shift_right_logical3A_34, %dma_wait3A_124] : memref<26x16384xi32, #tpu.memory_space<hbm>> -> memref<1x16384xi32, #tpu.memory_space<hbm>>
          %dma_wait3A_126 = tpu.memref_squeeze %dma_wait3A_125 : memref<1x16384xi32, #tpu.memory_space<hbm>> -> memref<16384xi32, #tpu.memory_space<hbm>>
          %dma_wait3A_127 = arith.constant 0 : i32
          %dma_wait3A_128 = tpu.memref_slice %arg3[%shift_right_logical3A_34, %dma_wait3A_127] : memref<26x16384xi32, #tpu.memory_space<hbm>> -> memref<1x16384xi32, #tpu.memory_space<hbm>>
          %dma_wait3A_129 = tpu.memref_squeeze %dma_wait3A_128 : memref<1x16384xi32, #tpu.memory_space<hbm>> -> memref<16384xi32, #tpu.memory_space<hbm>>
          tpu.wait_dma2 semaphore(%run_scoped3A : memref<!tpu.dma_semaphore, #tpu.memory_space<semaphore_mem>>) src(%dma_wait3A_129 : memref<16384xi32, #tpu.memory_space<hbm>>) dst(%arg6 : memref<16384xi32, #tpu.memory_space<vmem>>)
          tpu.yield
        }) : () -> ()
        %swap3A_115 = arith.constant 0 : i32
        %swap3A_116 = arith.index_cast %swap3A_115 : i32 to index
        %swap3A_117 = memref.load %arg9[%swap3A_116] : memref<1xi32, #tpu.memory_space<smem>>
        memref.store %shift_right_logical3A_34, %arg9[%swap3A_116] : memref<1xi32, #tpu.memory_space<smem>>
      } else {
      }
      %dma_wait3A_38 = arith.constant 0 : i32
      %dma_wait3A_39 = tpu.memref_slice %arg2[%add3A_33, %dma_wait3A_38] : memref<832x100000xf32, #tpu.memory_space<hbm>> -> memref<1x100000xf32, #tpu.memory_space<hbm>>
      %dma_wait3A_40 = tpu.memref_squeeze %dma_wait3A_39 : memref<1x100000xf32, #tpu.memory_space<hbm>> -> memref<100000xf32, #tpu.memory_space<hbm>>
      %dma_wait3A_41 = arith.constant 0 : i32
      %dma_wait3A_42 = tpu.memref_slice %arg2[%add3A_33, %dma_wait3A_41] : memref<832x100000xf32, #tpu.memory_space<hbm>> -> memref<1x100000xf32, #tpu.memory_space<hbm>>
      %dma_wait3A_43 = tpu.memref_squeeze %dma_wait3A_42 : memref<1x100000xf32, #tpu.memory_space<hbm>> -> memref<100000xf32, #tpu.memory_space<hbm>>
      tpu.wait_dma2 semaphore(%arg10 : memref<!tpu.dma_semaphore, #tpu.memory_space<semaphore_mem>>) src(%dma_wait3A_43 : memref<100000xf32, #tpu.memory_space<hbm>>) dst(%arg5 : memref<100000xf32, #tpu.memory_space<vmem>>)
      %gt3A = arith.constant 0 : i32
      %gt3A_44 = arith.cmpi sgt, %add3A_32, %gt3A : i32
      %convert_element_type3A_45 = arith.extui %gt3A_44 : i1 to i32
      %cond3A_46 = arith.constant 0 : i32
      %cond3A_47 = arith.cmpi ne, %convert_element_type3A_45, %cond3A_46 : i32
      scf.if %cond3A_47 {
        %dma_wait3A_115 = arith.constant 0 : i32
        %dma_wait3A_116 = tpu.memref_slice %arg4[%add3A_33, %dma_wait3A_115] : memref<832x16384xf32, #tpu.memory_space<hbm>> -> memref<1x4096xf32, #tpu.memory_space<hbm>>
        %dma_wait3A_117 = tpu.memref_squeeze %dma_wait3A_116 : memref<1x4096xf32, #tpu.memory_space<hbm>> -> memref<4096xf32, #tpu.memory_space<hbm>>
        %dma_wait3A_118 = arith.constant 0 : i32
        %dma_wait3A_119 = tpu.memref_slice %arg4[%add3A_33, %dma_wait3A_118] : memref<832x16384xf32, #tpu.memory_space<hbm>> -> memref<1x4096xf32, #tpu.memory_space<hbm>>
        %dma_wait3A_120 = tpu.memref_squeeze %dma_wait3A_119 : memref<1x4096xf32, #tpu.memory_space<hbm>> -> memref<4096xf32, #tpu.memory_space<hbm>>
        tpu.wait_dma2 semaphore(%arg11 : memref<!tpu.dma_semaphore, #tpu.memory_space<semaphore_mem>>) src(%arg7 : memref<4096xf32, #tpu.memory_space<vmem>>) dst(%dma_wait3A_120 : memref<4096xf32, #tpu.memory_space<hbm>>)
      } else {
      }
      %scan3A_48 = arith.constant 0 : i32
      %scan3A_49 = arith.constant 32 : i32
      %scan3A_50 = arith.addi %scan3A_48, %scan3A_49 : i32
      %scan3A_51 = arith.constant 1 : i32
      scf.for %scan3A_115 = %scan3A_48 to %scan3A_50 step %scan3A_51  : i32 {
        %mul3A_116 = arith.constant 128 : i32
        %mul3A_117 = arith.muli %scan3A_115, %mul3A_116 : i32
        %add3A_118 = arith.constant 0 : i32
        %add3A_119 = arith.addi %add3A_118, %mul3A_117 : i32
        %add3A_120 = arith.constant 0 : i32
        %add3A_121 = arith.addi %add3A_120, %add3A_119 : i32
        %add3A_122 = arith.constant 0 : i32
        %add3A_123 = arith.addi %add3A_121, %add3A_122 : i32
        %get3A_124 = arith.index_cast %add3A_123 : i32 to index
        %get3A_125 = tpu.vector_load %arg6[%get3A_124] {strides = array<i32>} : memref<16384xi32, #tpu.memory_space<vmem>>, vector<16xi32>,
        %add3A_126 = arith.constant 0 : i32
        %add3A_127 = arith.addi %add3A_126, %add3A_119 : i32
        %add3A_128 = arith.constant 16 : i32
        %add3A_129 = arith.addi %add3A_127, %add3A_128 : i32
        %get3A_130 = arith.index_cast %add3A_129 : i32 to index
        %get3A_131 = tpu.vector_load %arg6[%get3A_130] {strides = array<i32>} : memref<16384xi32, #tpu.memory_space<vmem>>, vector<16xi32>,
        %add3A_132 = arith.constant 0 : i32
        %add3A_133 = arith.addi %add3A_132, %add3A_119 : i32
        %add3A_134 = arith.constant 32 : i32
        %add3A_135 = arith.addi %add3A_133, %add3A_134 : i32
        %get3A_136 = arith.index_cast %add3A_135 : i32 to index
        %get3A_137 = tpu.vector_load %arg6[%get3A_136] {strides = array<i32>} : memref<16384xi32, #tpu.memory_space<vmem>>, vector<16xi32>,
        %add3A_138 = arith.constant 0 : i32
        %add3A_139 = arith.addi %add3A_138, %add3A_119 : i32
        %add3A_140 = arith.constant 48 : i32
        %add3A_141 = arith.addi %add3A_139, %add3A_140 : i32
        %get3A_142 = arith.index_cast %add3A_141 : i32 to index
        %get3A_143 = tpu.vector_load %arg6[%get3A_142] {strides = array<i32>} : memref<16384xi32, #tpu.memory_space<vmem>>, vector<16xi32>,
        %add3A_144 = arith.constant 0 : i32
        %add3A_145 = arith.addi %add3A_144, %add3A_119 : i32
        %add3A_146 = arith.constant 64 : i32
        %add3A_147 = arith.addi %add3A_145, %add3A_146 : i32
        %get3A_148 = arith.index_cast %add3A_147 : i32 to index
        %get3A_149 = tpu.vector_load %arg6[%get3A_148] {strides = array<i32>} : memref<16384xi32, #tpu.memory_space<vmem>>, vector<16xi32>,
        %add3A_150 = arith.constant 0 : i32
        %add3A_151 = arith.addi %add3A_150, %add3A_119 : i32
        %add3A_152 = arith.constant 80 : i32
        %add3A_153 = arith.addi %add3A_151, %add3A_152 : i32
        %get3A_154 = arith.index_cast %add3A_153 : i32 to index
        %get3A_155 = tpu.vector_load %arg6[%get3A_154] {strides = array<i32>} : memref<16384xi32, #tpu.memory_space<vmem>>, vector<16xi32>,
        %add3A_156 = arith.constant 0 : i32
        %add3A_157 = arith.addi %add3A_156, %add3A_119 : i32
        %add3A_158 = arith.constant 96 : i32
        %add3A_159 = arith.addi %add3A_157, %add3A_158 : i32
        %get3A_160 = arith.index_cast %add3A_159 : i32 to index
        %get3A_161 = tpu.vector_load %arg6[%get3A_160] {strides = array<i32>} : memref<16384xi32, #tpu.memory_space<vmem>>, vector<16xi32>,
        %add3A_162 = arith.constant 0 : i32
        %add3A_163 = arith.addi %add3A_162, %add3A_119 : i32
        %add3A_164 = arith.constant 112 : i32
        %add3A_165 = arith.addi %add3A_163, %add3A_164 : i32
        %get3A_166 = arith.index_cast %add3A_165 : i32 to index
        %get3A_167 = tpu.vector_load %arg6[%get3A_166] {strides = array<i32>} : memref<16384xi32, #tpu.memory_space<vmem>>, vector<16xi32>,
        %gather3A = tpu.vector_load_idx %arg5[%get3A_125] : memref<100000xf32, #tpu.memory_space<vmem>>[vector<16xi32>], vector<16xf32>,
        %gather3A_168 = tpu.vector_load_idx %arg5[%get3A_131] : memref<100000xf32, #tpu.memory_space<vmem>>[vector<16xi32>], vector<16xf32>,
        %gather3A_169 = tpu.vector_load_idx %arg5[%get3A_137] : memref<100000xf32, #tpu.memory_space<vmem>>[vector<16xi32>], vector<16xf32>,
        %gather3A_170 = tpu.vector_load_idx %arg5[%get3A_143] : memref<100000xf32, #tpu.memory_space<vmem>>[vector<16xi32>], vector<16xf32>,
        %gather3A_171 = tpu.vector_load_idx %arg5[%get3A_149] : memref<100000xf32, #tpu.memory_space<vmem>>[vector<16xi32>], vector<16xf32>,
        %gather3A_172 = tpu.vector_load_idx %arg5[%get3A_155] : memref<100000xf32, #tpu.memory_space<vmem>>[vector<16xi32>], vector<16xf32>,
        %gather3A_173 = tpu.vector_load_idx %arg5[%get3A_161] : memref<100000xf32, #tpu.memory_space<vmem>>[vector<16xi32>], vector<16xf32>,
        %gather3A_174 = tpu.vector_load_idx %arg5[%get3A_167] : memref<100000xf32, #tpu.memory_space<vmem>>[vector<16xi32>], vector<16xf32>,
        %add3A_175 = arith.constant 0 : i32
        %add3A_176 = arith.addi %add3A_119, %add3A_175 : i32
        %swap3A_177 = arith.index_cast %add3A_176 : i32 to index
        %swap3A_178 = tpu.vector_load %arg7[%swap3A_177] {strides = array<i32>} : memref<4096xf32, #tpu.memory_space<vmem>>, vector<16xf32>,
        tpu.vector_store %arg7[%swap3A_177], %gather3A {strides = array<i32>} : memref<4096xf32, #tpu.memory_space<vmem>>, vector<16xf32>,
        %add3A_179 = arith.constant 16 : i32
        %add3A_180 = arith.addi %add3A_119, %add3A_179 : i32
        %swap3A_181 = arith.index_cast %add3A_180 : i32 to index
        %swap3A_182 = tpu.vector_load %arg7[%swap3A_181] {strides = array<i32>} : memref<4096xf32, #tpu.memory_space<vmem>>, vector<16xf32>,
        tpu.vector_store %arg7[%swap3A_181], %gather3A_168 {strides = array<i32>} : memref<4096xf32, #tpu.memory_space<vmem>>, vector<16xf32>,
        %add3A_183 = arith.constant 32 : i32
        %add3A_184 = arith.addi %add3A_119, %add3A_183 : i32
        %swap3A_185 = arith.index_cast %add3A_184 : i32 to index
        %swap3A_186 = tpu.vector_load %arg7[%swap3A_185] {strides = array<i32>} : memref<4096xf32, #tpu.memory_space<vmem>>, vector<16xf32>,
        tpu.vector_store %arg7[%swap3A_185], %gather3A_169 {strides = array<i32>} : memref<4096xf32, #tpu.memory_space<vmem>>, vector<16xf32>,
        %add3A_187 = arith.constant 48 : i32
        %add3A_188 = arith.addi %add3A_119, %add3A_187 : i32
        %swap3A_189 = arith.index_cast %add3A_188 : i32 to index
        %swap3A_190 = tpu.vector_load %arg7[%swap3A_189] {strides = array<i32>} : memref<4096xf32, #tpu.memory_space<vmem>>, vector<16xf32>,
        tpu.vector_store %arg7[%swap3A_189], %gather3A_170 {strides = array<i32>} : memref<4096xf32, #tpu.memory_space<vmem>>, vector<16xf32>,
        %add3A_191 = arith.constant 64 : i32
        %add3A_192 = arith.addi %add3A_119, %add3A_191 : i32
        %swap3A_193 = arith.index_cast %add3A_192 : i32 to index
        %swap3A_194 = tpu.vector_load %arg7[%swap3A_193] {strides = array<i32>} : memref<4096xf32, #tpu.memory_space<vmem>>, vector<16xf32>,
        tpu.vector_store %arg7[%swap3A_193], %gather3A_171 {strides = array<i32>} : memref<4096xf32, #tpu.memory_space<vmem>>, vector<16xf32>,
        %add3A_195 = arith.constant 80 : i32
        %add3A_196 = arith.addi %add3A_119, %add3A_195 : i32
        %swap3A_197 = arith.index_cast %add3A_196 : i32 to index
        %swap3A_198 = tpu.vector_load %arg7[%swap3A_197] {strides = array<i32>} : memref<4096xf32, #tpu.memory_space<vmem>>, vector<16xf32>,
        tpu.vector_store %arg7[%swap3A_197], %gather3A_172 {strides = array<i32>} : memref<4096xf32, #tpu.memory_space<vmem>>, vector<16xf32>,
        %add3A_199 = arith.constant 96 : i32
        %add3A_200 = arith.addi %add3A_119, %add3A_199 : i32
        %swap3A_201 = arith.index_cast %add3A_200 : i32 to index
        %swap3A_202 = tpu.vector_load %arg7[%swap3A_201] {strides = array<i32>} : memref<4096xf32, #tpu.memory_space<vmem>>, vector<16xf32>,
        tpu.vector_store %arg7[%swap3A_201], %gather3A_173 {strides = array<i32>} : memref<4096xf32, #tpu.memory_space<vmem>>, vector<16xf32>,
        %add3A_203 = arith.constant 112 : i32
        %add3A_204 = arith.addi %add3A_119, %add3A_203 : i32
        %swap3A_205 = arith.index_cast %add3A_204 : i32 to index
        %swap3A_206 = tpu.vector_load %arg7[%swap3A_205] {strides = array<i32>} : memref<4096xf32, #tpu.memory_space<vmem>>, vector<16xf32>,
        tpu.vector_store %arg7[%swap3A_205], %gather3A_174 {strides = array<i32>} : memref<4096xf32, #tpu.memory_space<vmem>>, vector<16xf32>,
      }
      %scan3A_52 = arith.constant 32 : i32
      %dma_start3A_53 = arith.constant 0 : i32
      %dma_start3A_54 = tpu.memref_slice %arg4[%add3A_33, %dma_start3A_53] : memref<832x16384xf32, #tpu.memory_space<hbm>> -> memref<1x4096xf32, #tpu.memory_space<hbm>>
      %dma_start3A_55 = tpu.memref_squeeze %dma_start3A_54 : memref<1x4096xf32, #tpu.memory_space<hbm>> -> memref<4096xf32, #tpu.memory_space<hbm>>
      %dma_start3A_56 = arith.constant 0 : i32
      %dma_start3A_57 = tpu.memref_slice %arg4[%add3A_33, %dma_start3A_56] : memref<832x16384xf32, #tpu.memory_space<hbm>> -> memref<1x4096xf32, #tpu.memory_space<hbm>>
      %dma_start3A_58 = tpu.memref_squeeze %dma_start3A_57 : memref<1x4096xf32, #tpu.memory_space<hbm>> -> memref<4096xf32, #tpu.memory_space<hbm>>
      tpu.enqueue_dma source(%arg7 : memref<4096xf32, #tpu.memory_space<vmem>>) target(%dma_start3A_58 : memref<4096xf32, #tpu.memory_space<hbm>>) target_semaphore(%arg11 : memref<!tpu.dma_semaphore, #tpu.memory_space<semaphore_mem>>)
      %gt3A_59 = arith.constant 0 : i32
      %gt3A_60 = arith.cmpi sgt, %add3A_32, %gt3A_59 : i32
      %convert_element_type3A_61 = arith.extui %gt3A_60 : i1 to i32
      %cond3A_62 = arith.constant 0 : i32
      %cond3A_63 = arith.cmpi ne, %convert_element_type3A_61, %cond3A_62 : i32
      scf.if %cond3A_63 {
        %dma_wait3A_115 = arith.constant 4096 : i32
        %dma_wait3A_116 = tpu.memref_slice %arg4[%add3A_33, %dma_wait3A_115] : memref<832x16384xf32, #tpu.memory_space<hbm>> -> memref<1x4096xf32, #tpu.memory_space<hbm>>
        %dma_wait3A_117 = tpu.memref_squeeze %dma_wait3A_116 : memref<1x4096xf32, #tpu.memory_space<hbm>> -> memref<4096xf32, #tpu.memory_space<hbm>>
        %dma_wait3A_118 = arith.constant 4096 : i32
        %dma_wait3A_119 = tpu.memref_slice %arg4[%add3A_33, %dma_wait3A_118] : memref<832x16384xf32, #tpu.memory_space<hbm>> -> memref<1x4096xf32, #tpu.memory_space<hbm>>
        %dma_wait3A_120 = tpu.memref_squeeze %dma_wait3A_119 : memref<1x4096xf32, #tpu.memory_space<hbm>> -> memref<4096xf32, #tpu.memory_space<hbm>>
        tpu.wait_dma2 semaphore(%arg11 : memref<!tpu.dma_semaphore, #tpu.memory_space<semaphore_mem>>) src(%arg8 : memref<4096xf32, #tpu.memory_space<vmem>>) dst(%dma_wait3A_120 : memref<4096xf32, #tpu.memory_space<hbm>>)
      } else {
      }
      %scan3A_64 = arith.constant 0 : i32
      %scan3A_65 = arith.constant 32 : i32
      %scan3A_66 = arith.addi %scan3A_64, %scan3A_65 : i32
      %scan3A_67 = arith.constant 1 : i32
      scf.for %scan3A_115 = %scan3A_64 to %scan3A_66 step %scan3A_67  : i32 {
        %mul3A_116 = arith.constant 128 : i32
        %mul3A_117 = arith.muli %scan3A_115, %mul3A_116 : i32
        %add3A_118 = arith.constant 0 : i32
        %add3A_119 = arith.addi %add3A_118, %mul3A_117 : i32
        %add3A_120 = arith.constant 4096 : i32
        %add3A_121 = arith.addi %add3A_120, %add3A_119 : i32
        %add3A_122 = arith.constant 0 : i32
        %add3A_123 = arith.addi %add3A_121, %add3A_122 : i32
        %get3A_124 = arith.index_cast %add3A_123 : i32 to index
        %get3A_125 = tpu.vector_load %arg6[%get3A_124] {strides = array<i32>} : memref<16384xi32, #tpu.memory_space<vmem>>, vector<16xi32>,
        %add3A_126 = arith.constant 4096 : i32
        %add3A_127 = arith.addi %add3A_126, %add3A_119 : i32
        %add3A_128 = arith.constant 16 : i32
        %add3A_129 = arith.addi %add3A_127, %add3A_128 : i32
        %get3A_130 = arith.index_cast %add3A_129 : i32 to index
        %get3A_131 = tpu.vector_load %arg6[%get3A_130] {strides = array<i32>} : memref<16384xi32, #tpu.memory_space<vmem>>, vector<16xi32>,
        %add3A_132 = arith.constant 4096 : i32
        %add3A_133 = arith.addi %add3A_132, %add3A_119 : i32
        %add3A_134 = arith.constant 32 : i32
        %add3A_135 = arith.addi %add3A_133, %add3A_134 : i32
        %get3A_136 = arith.index_cast %add3A_135 : i32 to index
        %get3A_137 = tpu.vector_load %arg6[%get3A_136] {strides = array<i32>} : memref<16384xi32, #tpu.memory_space<vmem>>, vector<16xi32>,
        %add3A_138 = arith.constant 4096 : i32
        %add3A_139 = arith.addi %add3A_138, %add3A_119 : i32
        %add3A_140 = arith.constant 48 : i32
        %add3A_141 = arith.addi %add3A_139, %add3A_140 : i32
        %get3A_142 = arith.index_cast %add3A_141 : i32 to index
        %get3A_143 = tpu.vector_load %arg6[%get3A_142] {strides = array<i32>} : memref<16384xi32, #tpu.memory_space<vmem>>, vector<16xi32>,
        %add3A_144 = arith.constant 4096 : i32
        %add3A_145 = arith.addi %add3A_144, %add3A_119 : i32
        %add3A_146 = arith.constant 64 : i32
        %add3A_147 = arith.addi %add3A_145, %add3A_146 : i32
        %get3A_148 = arith.index_cast %add3A_147 : i32 to index
        %get3A_149 = tpu.vector_load %arg6[%get3A_148] {strides = array<i32>} : memref<16384xi32, #tpu.memory_space<vmem>>, vector<16xi32>,
        %add3A_150 = arith.constant 4096 : i32
        %add3A_151 = arith.addi %add3A_150, %add3A_119 : i32
        %add3A_152 = arith.constant 80 : i32
        %add3A_153 = arith.addi %add3A_151, %add3A_152 : i32
        %get3A_154 = arith.index_cast %add3A_153 : i32 to index
        %get3A_155 = tpu.vector_load %arg6[%get3A_154] {strides = array<i32>} : memref<16384xi32, #tpu.memory_space<vmem>>, vector<16xi32>,
        %add3A_156 = arith.constant 4096 : i32
        %add3A_157 = arith.addi %add3A_156, %add3A_119 : i32
        %add3A_158 = arith.constant 96 : i32
        %add3A_159 = arith.addi %add3A_157, %add3A_158 : i32
        %get3A_160 = arith.index_cast %add3A_159 : i32 to index
        %get3A_161 = tpu.vector_load %arg6[%get3A_160] {strides = array<i32>} : memref<16384xi32, #tpu.memory_space<vmem>>, vector<16xi32>,
        %add3A_162 = arith.constant 4096 : i32
        %add3A_163 = arith.addi %add3A_162, %add3A_119 : i32
        %add3A_164 = arith.constant 112 : i32
        %add3A_165 = arith.addi %add3A_163, %add3A_164 : i32
        %get3A_166 = arith.index_cast %add3A_165 : i32 to index
        %get3A_167 = tpu.vector_load %arg6[%get3A_166] {strides = array<i32>} : memref<16384xi32, #tpu.memory_space<vmem>>, vector<16xi32>,
        %gather3A = tpu.vector_load_idx %arg5[%get3A_125] : memref<100000xf32, #tpu.memory_space<vmem>>[vector<16xi32>], vector<16xf32>,
        %gather3A_168 = tpu.vector_load_idx %arg5[%get3A_131] : memref<100000xf32, #tpu.memory_space<vmem>>[vector<16xi32>], vector<16xf32>,
        %gather3A_169 = tpu.vector_load_idx %arg5[%get3A_137] : memref<100000xf32, #tpu.memory_space<vmem>>[vector<16xi32>], vector<16xf32>,
        %gather3A_170 = tpu.vector_load_idx %arg5[%get3A_143] : memref<100000xf32, #tpu.memory_space<vmem>>[vector<16xi32>], vector<16xf32>,
        %gather3A_171 = tpu.vector_load_idx %arg5[%get3A_149] : memref<100000xf32, #tpu.memory_space<vmem>>[vector<16xi32>], vector<16xf32>,
        %gather3A_172 = tpu.vector_load_idx %arg5[%get3A_155] : memref<100000xf32, #tpu.memory_space<vmem>>[vector<16xi32>], vector<16xf32>,
        %gather3A_173 = tpu.vector_load_idx %arg5[%get3A_161] : memref<100000xf32, #tpu.memory_space<vmem>>[vector<16xi32>], vector<16xf32>,
        %gather3A_174 = tpu.vector_load_idx %arg5[%get3A_167] : memref<100000xf32, #tpu.memory_space<vmem>>[vector<16xi32>], vector<16xf32>,
        %add3A_175 = arith.constant 0 : i32
        %add3A_176 = arith.addi %add3A_119, %add3A_175 : i32
        %swap3A_177 = arith.index_cast %add3A_176 : i32 to index
        %swap3A_178 = tpu.vector_load %arg8[%swap3A_177] {strides = array<i32>} : memref<4096xf32, #tpu.memory_space<vmem>>, vector<16xf32>,
        tpu.vector_store %arg8[%swap3A_177], %gather3A {strides = array<i32>} : memref<4096xf32, #tpu.memory_space<vmem>>, vector<16xf32>,
        %add3A_179 = arith.constant 16 : i32
        %add3A_180 = arith.addi %add3A_119, %add3A_179 : i32
        %swap3A_181 = arith.index_cast %add3A_180 : i32 to index
        %swap3A_182 = tpu.vector_load %arg8[%swap3A_181] {strides = array<i32>} : memref<4096xf32, #tpu.memory_space<vmem>>, vector<16xf32>,
        tpu.vector_store %arg8[%swap3A_181], %gather3A_168 {strides = array<i32>} : memref<4096xf32, #tpu.memory_space<vmem>>, vector<16xf32>,
        %add3A_183 = arith.constant 32 : i32
        %add3A_184 = arith.addi %add3A_119, %add3A_183 : i32
        %swap3A_185 = arith.index_cast %add3A_184 : i32 to index
        %swap3A_186 = tpu.vector_load %arg8[%swap3A_185] {strides = array<i32>} : memref<4096xf32, #tpu.memory_space<vmem>>, vector<16xf32>,
        tpu.vector_store %arg8[%swap3A_185], %gather3A_169 {strides = array<i32>} : memref<4096xf32, #tpu.memory_space<vmem>>, vector<16xf32>,
        %add3A_187 = arith.constant 48 : i32
        %add3A_188 = arith.addi %add3A_119, %add3A_187 : i32
        %swap3A_189 = arith.index_cast %add3A_188 : i32 to index
        %swap3A_190 = tpu.vector_load %arg8[%swap3A_189] {strides = array<i32>} : memref<4096xf32, #tpu.memory_space<vmem>>, vector<16xf32>,
        tpu.vector_store %arg8[%swap3A_189], %gather3A_170 {strides = array<i32>} : memref<4096xf32, #tpu.memory_space<vmem>>, vector<16xf32>,
        %add3A_191 = arith.constant 64 : i32
        %add3A_192 = arith.addi %add3A_119, %add3A_191 : i32
        %swap3A_193 = arith.index_cast %add3A_192 : i32 to index
        %swap3A_194 = tpu.vector_load %arg8[%swap3A_193] {strides = array<i32>} : memref<4096xf32, #tpu.memory_space<vmem>>, vector<16xf32>,
        tpu.vector_store %arg8[%swap3A_193], %gather3A_171 {strides = array<i32>} : memref<4096xf32, #tpu.memory_space<vmem>>, vector<16xf32>,
        %add3A_195 = arith.constant 80 : i32
        %add3A_196 = arith.addi %add3A_119, %add3A_195 : i32
        %swap3A_197 = arith.index_cast %add3A_196 : i32 to index
        %swap3A_198 = tpu.vector_load %arg8[%swap3A_197] {strides = array<i32>} : memref<4096xf32, #tpu.memory_space<vmem>>, vector<16xf32>,
        tpu.vector_store %arg8[%swap3A_197], %gather3A_172 {strides = array<i32>} : memref<4096xf32, #tpu.memory_space<vmem>>, vector<16xf32>,
        %add3A_199 = arith.constant 96 : i32
        %add3A_200 = arith.addi %add3A_119, %add3A_199 : i32
        %swap3A_201 = arith.index_cast %add3A_200 : i32 to index
        %swap3A_202 = tpu.vector_load %arg8[%swap3A_201] {strides = array<i32>} : memref<4096xf32, #tpu.memory_space<vmem>>, vector<16xf32>,
        tpu.vector_store %arg8[%swap3A_201], %gather3A_173 {strides = array<i32>} : memref<4096xf32, #tpu.memory_space<vmem>>, vector<16xf32>,
        %add3A_203 = arith.constant 112 : i32
        %add3A_204 = arith.addi %add3A_119, %add3A_203 : i32
        %swap3A_205 = arith.index_cast %add3A_204 : i32 to index
        %swap3A_206 = tpu.vector_load %arg8[%swap3A_205] {strides = array<i32>} : memref<4096xf32, #tpu.memory_space<vmem>>, vector<16xf32>,
        tpu.vector_store %arg8[%swap3A_205], %gather3A_174 {strides = array<i32>} : memref<4096xf32, #tpu.memory_space<vmem>>, vector<16xf32>,
      }
      %scan3A_68 = arith.constant 32 : i32
      %dma_start3A_69 = arith.constant 4096 : i32
      %dma_start3A_70 = tpu.memref_slice %arg4[%add3A_33, %dma_start3A_69] : memref<832x16384xf32, #tpu.memory_space<hbm>> -> memref<1x4096xf32, #tpu.memory_space<hbm>>
      %dma_start3A_71 = tpu.memref_squeeze %dma_start3A_70 : memref<1x4096xf32, #tpu.memory_space<hbm>> -> memref<4096xf32, #tpu.memory_space<hbm>>
      %dma_start3A_72 = arith.constant 4096 : i32
      %dma_start3A_73 = tpu.memref_slice %arg4[%add3A_33, %dma_start3A_72] : memref<832x16384xf32, #tpu.memory_space<hbm>> -> memref<1x4096xf32, #tpu.memory_space<hbm>>
      %dma_start3A_74 = tpu.memref_squeeze %dma_start3A_73 : memref<1x4096xf32, #tpu.memory_space<hbm>> -> memref<4096xf32, #tpu.memory_space<hbm>>
      tpu.enqueue_dma source(%arg8 : memref<4096xf32, #tpu.memory_space<vmem>>) target(%dma_start3A_74 : memref<4096xf32, #tpu.memory_space<hbm>>) target_semaphore(%arg11 : memref<!tpu.dma_semaphore, #tpu.memory_space<semaphore_mem>>)
      %dma_wait3A_75 = arith.constant 8192 : i32
      %dma_wait3A_76 = tpu.memref_slice %arg4[%add3A_33, %dma_wait3A_75] : memref<832x16384xf32, #tpu.memory_space<hbm>> -> memref<1x4096xf32, #tpu.memory_space<hbm>>
      %dma_wait3A_77 = tpu.memref_squeeze %dma_wait3A_76 : memref<1x4096xf32, #tpu.memory_space<hbm>> -> memref<4096xf32, #tpu.memory_space<hbm>>
      %dma_wait3A_78 = arith.constant 8192 : i32
      %dma_wait3A_79 = tpu.memref_slice %arg4[%add3A_33, %dma_wait3A_78] : memref<832x16384xf32, #tpu.memory_space<hbm>> -> memref<1x4096xf32, #tpu.memory_space<hbm>>
      %dma_wait3A_80 = tpu.memref_squeeze %dma_wait3A_79 : memref<1x4096xf32, #tpu.memory_space<hbm>> -> memref<4096xf32, #tpu.memory_space<hbm>>
      tpu.wait_dma2 semaphore(%arg11 : memref<!tpu.dma_semaphore, #tpu.memory_space<semaphore_mem>>) src(%arg7 : memref<4096xf32, #tpu.memory_space<vmem>>) dst(%dma_wait3A_80 : memref<4096xf32, #tpu.memory_space<hbm>>)
      %scan3A_81 = arith.constant 0 : i32
      %scan3A_82 = arith.constant 32 : i32
      %scan3A_83 = arith.addi %scan3A_81, %scan3A_82 : i32
      %scan3A_84 = arith.constant 1 : i32
      scf.for %scan3A_115 = %scan3A_81 to %scan3A_83 step %scan3A_84  : i32 {
        %mul3A_116 = arith.constant 128 : i32
        %mul3A_117 = arith.muli %scan3A_115, %mul3A_116 : i32
        %add3A_118 = arith.constant 0 : i32
        %add3A_119 = arith.addi %add3A_118, %mul3A_117 : i32
        %add3A_120 = arith.constant 8192 : i32
        %add3A_121 = arith.addi %add3A_120, %add3A_119 : i32
        %add3A_122 = arith.constant 0 : i32
        %add3A_123 = arith.addi %add3A_121, %add3A_122 : i32
        %get3A_124 = arith.index_cast %add3A_123 : i32 to index
        %get3A_125 = tpu.vector_load %arg6[%get3A_124] {strides = array<i32>} : memref<16384xi32, #tpu.memory_space<vmem>>, vector<16xi32>,
        %add3A_126 = arith.constant 8192 : i32
        %add3A_127 = arith.addi %add3A_126, %add3A_119 : i32
        %add3A_128 = arith.constant 16 : i32
        %add3A_129 = arith.addi %add3A_127, %add3A_128 : i32
        %get3A_130 = arith.index_cast %add3A_129 : i32 to index
        %get3A_131 = tpu.vector_load %arg6[%get3A_130] {strides = array<i32>} : memref<16384xi32, #tpu.memory_space<vmem>>, vector<16xi32>,
        %add3A_132 = arith.constant 8192 : i32
        %add3A_133 = arith.addi %add3A_132, %add3A_119 : i32
        %add3A_134 = arith.constant 32 : i32
        %add3A_135 = arith.addi %add3A_133, %add3A_134 : i32
        %get3A_136 = arith.index_cast %add3A_135 : i32 to index
        %get3A_137 = tpu.vector_load %arg6[%get3A_136] {strides = array<i32>} : memref<16384xi32, #tpu.memory_space<vmem>>, vector<16xi32>,
        %add3A_138 = arith.constant 8192 : i32
        %add3A_139 = arith.addi %add3A_138, %add3A_119 : i32
        %add3A_140 = arith.constant 48 : i32
        %add3A_141 = arith.addi %add3A_139, %add3A_140 : i32
        %get3A_142 = arith.index_cast %add3A_141 : i32 to index
        %get3A_143 = tpu.vector_load %arg6[%get3A_142] {strides = array<i32>} : memref<16384xi32, #tpu.memory_space<vmem>>, vector<16xi32>,
        %add3A_144 = arith.constant 8192 : i32
        %add3A_145 = arith.addi %add3A_144, %add3A_119 : i32
        %add3A_146 = arith.constant 64 : i32
        %add3A_147 = arith.addi %add3A_145, %add3A_146 : i32
        %get3A_148 = arith.index_cast %add3A_147 : i32 to index
        %get3A_149 = tpu.vector_load %arg6[%get3A_148] {strides = array<i32>} : memref<16384xi32, #tpu.memory_space<vmem>>, vector<16xi32>,
        %add3A_150 = arith.constant 8192 : i32
        %add3A_151 = arith.addi %add3A_150, %add3A_119 : i32
        %add3A_152 = arith.constant 80 : i32
        %add3A_153 = arith.addi %add3A_151, %add3A_152 : i32
        %get3A_154 = arith.index_cast %add3A_153 : i32 to index
        %get3A_155 = tpu.vector_load %arg6[%get3A_154] {strides = array<i32>} : memref<16384xi32, #tpu.memory_space<vmem>>, vector<16xi32>,
        %add3A_156 = arith.constant 8192 : i32
        %add3A_157 = arith.addi %add3A_156, %add3A_119 : i32
        %add3A_158 = arith.constant 96 : i32
        %add3A_159 = arith.addi %add3A_157, %add3A_158 : i32
        %get3A_160 = arith.index_cast %add3A_159 : i32 to index
        %get3A_161 = tpu.vector_load %arg6[%get3A_160] {strides = array<i32>} : memref<16384xi32, #tpu.memory_space<vmem>>, vector<16xi32>,
        %add3A_162 = arith.constant 8192 : i32
        %add3A_163 = arith.addi %add3A_162, %add3A_119 : i32
        %add3A_164 = arith.constant 112 : i32
        %add3A_165 = arith.addi %add3A_163, %add3A_164 : i32
        %get3A_166 = arith.index_cast %add3A_165 : i32 to index
        %get3A_167 = tpu.vector_load %arg6[%get3A_166] {strides = array<i32>} : memref<16384xi32, #tpu.memory_space<vmem>>, vector<16xi32>,
        %gather3A = tpu.vector_load_idx %arg5[%get3A_125] : memref<100000xf32, #tpu.memory_space<vmem>>[vector<16xi32>], vector<16xf32>,
        %gather3A_168 = tpu.vector_load_idx %arg5[%get3A_131] : memref<100000xf32, #tpu.memory_space<vmem>>[vector<16xi32>], vector<16xf32>,
        %gather3A_169 = tpu.vector_load_idx %arg5[%get3A_137] : memref<100000xf32, #tpu.memory_space<vmem>>[vector<16xi32>], vector<16xf32>,
        %gather3A_170 = tpu.vector_load_idx %arg5[%get3A_143] : memref<100000xf32, #tpu.memory_space<vmem>>[vector<16xi32>], vector<16xf32>,
        %gather3A_171 = tpu.vector_load_idx %arg5[%get3A_149] : memref<100000xf32, #tpu.memory_space<vmem>>[vector<16xi32>], vector<16xf32>,
        %gather3A_172 = tpu.vector_load_idx %arg5[%get3A_155] : memref<100000xf32, #tpu.memory_space<vmem>>[vector<16xi32>], vector<16xf32>,
        %gather3A_173 = tpu.vector_load_idx %arg5[%get3A_161] : memref<100000xf32, #tpu.memory_space<vmem>>[vector<16xi32>], vector<16xf32>,
        %gather3A_174 = tpu.vector_load_idx %arg5[%get3A_167] : memref<100000xf32, #tpu.memory_space<vmem>>[vector<16xi32>], vector<16xf32>,
        %add3A_175 = arith.constant 0 : i32
        %add3A_176 = arith.addi %add3A_119, %add3A_175 : i32
        %swap3A_177 = arith.index_cast %add3A_176 : i32 to index
        %swap3A_178 = tpu.vector_load %arg7[%swap3A_177] {strides = array<i32>} : memref<4096xf32, #tpu.memory_space<vmem>>, vector<16xf32>,
        tpu.vector_store %arg7[%swap3A_177], %gather3A {strides = array<i32>} : memref<4096xf32, #tpu.memory_space<vmem>>, vector<16xf32>,
        %add3A_179 = arith.constant 16 : i32
        %add3A_180 = arith.addi %add3A_119, %add3A_179 : i32
        %swap3A_181 = arith.index_cast %add3A_180 : i32 to index
        %swap3A_182 = tpu.vector_load %arg7[%swap3A_181] {strides = array<i32>} : memref<4096xf32, #tpu.memory_space<vmem>>, vector<16xf32>,
        tpu.vector_store %arg7[%swap3A_181], %gather3A_168 {strides = array<i32>} : memref<4096xf32, #tpu.memory_space<vmem>>, vector<16xf32>,
        %add3A_183 = arith.constant 32 : i32
        %add3A_184 = arith.addi %add3A_119, %add3A_183 : i32
        %swap3A_185 = arith.index_cast %add3A_184 : i32 to index
        %swap3A_186 = tpu.vector_load %arg7[%swap3A_185] {strides = array<i32>} : memref<4096xf32, #tpu.memory_space<vmem>>, vector<16xf32>,
        tpu.vector_store %arg7[%swap3A_185], %gather3A_169 {strides = array<i32>} : memref<4096xf32, #tpu.memory_space<vmem>>, vector<16xf32>,
        %add3A_187 = arith.constant 48 : i32
        %add3A_188 = arith.addi %add3A_119, %add3A_187 : i32
        %swap3A_189 = arith.index_cast %add3A_188 : i32 to index
        %swap3A_190 = tpu.vector_load %arg7[%swap3A_189] {strides = array<i32>} : memref<4096xf32, #tpu.memory_space<vmem>>, vector<16xf32>,
        tpu.vector_store %arg7[%swap3A_189], %gather3A_170 {strides = array<i32>} : memref<4096xf32, #tpu.memory_space<vmem>>, vector<16xf32>,
        %add3A_191 = arith.constant 64 : i32
        %add3A_192 = arith.addi %add3A_119, %add3A_191 : i32
        %swap3A_193 = arith.index_cast %add3A_192 : i32 to index
        %swap3A_194 = tpu.vector_load %arg7[%swap3A_193] {strides = array<i32>} : memref<4096xf32, #tpu.memory_space<vmem>>, vector<16xf32>,
        tpu.vector_store %arg7[%swap3A_193], %gather3A_171 {strides = array<i32>} : memref<4096xf32, #tpu.memory_space<vmem>>, vector<16xf32>,
        %add3A_195 = arith.constant 80 : i32
        %add3A_196 = arith.addi %add3A_119, %add3A_195 : i32
        %swap3A_197 = arith.index_cast %add3A_196 : i32 to index
        %swap3A_198 = tpu.vector_load %arg7[%swap3A_197] {strides = array<i32>} : memref<4096xf32, #tpu.memory_space<vmem>>, vector<16xf32>,
        tpu.vector_store %arg7[%swap3A_197], %gather3A_172 {strides = array<i32>} : memref<4096xf32, #tpu.memory_space<vmem>>, vector<16xf32>,
        %add3A_199 = arith.constant 96 : i32
        %add3A_200 = arith.addi %add3A_119, %add3A_199 : i32
        %swap3A_201 = arith.index_cast %add3A_200 : i32 to index
        %swap3A_202 = tpu.vector_load %arg7[%swap3A_201] {strides = array<i32>} : memref<4096xf32, #tpu.memory_space<vmem>>, vector<16xf32>,
        tpu.vector_store %arg7[%swap3A_201], %gather3A_173 {strides = array<i32>} : memref<4096xf32, #tpu.memory_space<vmem>>, vector<16xf32>,
        %add3A_203 = arith.constant 112 : i32
        %add3A_204 = arith.addi %add3A_119, %add3A_203 : i32
        %swap3A_205 = arith.index_cast %add3A_204 : i32 to index
        %swap3A_206 = tpu.vector_load %arg7[%swap3A_205] {strides = array<i32>} : memref<4096xf32, #tpu.memory_space<vmem>>, vector<16xf32>,
        tpu.vector_store %arg7[%swap3A_205], %gather3A_174 {strides = array<i32>} : memref<4096xf32, #tpu.memory_space<vmem>>, vector<16xf32>,
      }
      %scan3A_85 = arith.constant 32 : i32
      %dma_start3A_86 = arith.constant 8192 : i32
      %dma_start3A_87 = tpu.memref_slice %arg4[%add3A_33, %dma_start3A_86] : memref<832x16384xf32, #tpu.memory_space<hbm>> -> memref<1x4096xf32, #tpu.memory_space<hbm>>
      %dma_start3A_88 = tpu.memref_squeeze %dma_start3A_87 : memref<1x4096xf32, #tpu.memory_space<hbm>> -> memref<4096xf32, #tpu.memory_space<hbm>>
      %dma_start3A_89 = arith.constant 8192 : i32
      %dma_start3A_90 = tpu.memref_slice %arg4[%add3A_33, %dma_start3A_89] : memref<832x16384xf32, #tpu.memory_space<hbm>> -> memref<1x4096xf32, #tpu.memory_space<hbm>>
      %dma_start3A_91 = tpu.memref_squeeze %dma_start3A_90 : memref<1x4096xf32, #tpu.memory_space<hbm>> -> memref<4096xf32, #tpu.memory_space<hbm>>
      tpu.enqueue_dma source(%arg7 : memref<4096xf32, #tpu.memory_space<vmem>>) target(%dma_start3A_91 : memref<4096xf32, #tpu.memory_space<hbm>>) target_semaphore(%arg11 : memref<!tpu.dma_semaphore, #tpu.memory_space<semaphore_mem>>)
      %dma_wait3A_92 = arith.constant 12288 : i32
      %dma_wait3A_93 = tpu.memref_slice %arg4[%add3A_33, %dma_wait3A_92] : memref<832x16384xf32, #tpu.memory_space<hbm>> -> memref<1x4096xf32, #tpu.memory_space<hbm>>
      %dma_wait3A_94 = tpu.memref_squeeze %dma_wait3A_93 : memref<1x4096xf32, #tpu.memory_space<hbm>> -> memref<4096xf32, #tpu.memory_space<hbm>>
      %dma_wait3A_95 = arith.constant 12288 : i32
      %dma_wait3A_96 = tpu.memref_slice %arg4[%add3A_33, %dma_wait3A_95] : memref<832x16384xf32, #tpu.memory_space<hbm>> -> memref<1x4096xf32, #tpu.memory_space<hbm>>
      %dma_wait3A_97 = tpu.memref_squeeze %dma_wait3A_96 : memref<1x4096xf32, #tpu.memory_space<hbm>> -> memref<4096xf32, #tpu.memory_space<hbm>>
      tpu.wait_dma2 semaphore(%arg11 : memref<!tpu.dma_semaphore, #tpu.memory_space<semaphore_mem>>) src(%arg8 : memref<4096xf32, #tpu.memory_space<vmem>>) dst(%dma_wait3A_97 : memref<4096xf32, #tpu.memory_space<hbm>>)
      %scan3A_98 = arith.constant 0 : i32
      %scan3A_99 = arith.constant 32 : i32
      %scan3A_100 = arith.addi %scan3A_98, %scan3A_99 : i32
      %scan3A_101 = arith.constant 1 : i32
      scf.for %scan3A_115 = %scan3A_98 to %scan3A_100 step %scan3A_101  : i32 {
        %mul3A_116 = arith.constant 128 : i32
        %mul3A_117 = arith.muli %scan3A_115, %mul3A_116 : i32
        %add3A_118 = arith.constant 0 : i32
        %add3A_119 = arith.addi %add3A_118, %mul3A_117 : i32
        %add3A_120 = arith.constant 12288 : i32
        %add3A_121 = arith.addi %add3A_120, %add3A_119 : i32
        %add3A_122 = arith.constant 0 : i32
        %add3A_123 = arith.addi %add3A_121, %add3A_122 : i32
        %get3A_124 = arith.index_cast %add3A_123 : i32 to index
        %get3A_125 = tpu.vector_load %arg6[%get3A_124] {strides = array<i32>} : memref<16384xi32, #tpu.memory_space<vmem>>, vector<16xi32>,
        %add3A_126 = arith.constant 12288 : i32
        %add3A_127 = arith.addi %add3A_126, %add3A_119 : i32
        %add3A_128 = arith.constant 16 : i32
        %add3A_129 = arith.addi %add3A_127, %add3A_128 : i32
        %get3A_130 = arith.index_cast %add3A_129 : i32 to index
        %get3A_131 = tpu.vector_load %arg6[%get3A_130] {strides = array<i32>} : memref<16384xi32, #tpu.memory_space<vmem>>, vector<16xi32>,
        %add3A_132 = arith.constant 12288 : i32
        %add3A_133 = arith.addi %add3A_132, %add3A_119 : i32
        %add3A_134 = arith.constant 32 : i32
        %add3A_135 = arith.addi %add3A_133, %add3A_134 : i32
        %get3A_136 = arith.index_cast %add3A_135 : i32 to index
        %get3A_137 = tpu.vector_load %arg6[%get3A_136] {strides = array<i32>} : memref<16384xi32, #tpu.memory_space<vmem>>, vector<16xi32>,
        %add3A_138 = arith.constant 12288 : i32
        %add3A_139 = arith.addi %add3A_138, %add3A_119 : i32
        %add3A_140 = arith.constant 48 : i32
        %add3A_141 = arith.addi %add3A_139, %add3A_140 : i32
        %get3A_142 = arith.index_cast %add3A_141 : i32 to index
        %get3A_143 = tpu.vector_load %arg6[%get3A_142] {strides = array<i32>} : memref<16384xi32, #tpu.memory_space<vmem>>, vector<16xi32>,
        %add3A_144 = arith.constant 12288 : i32
        %add3A_145 = arith.addi %add3A_144, %add3A_119 : i32
        %add3A_146 = arith.constant 64 : i32
        %add3A_147 = arith.addi %add3A_145, %add3A_146 : i32
        %get3A_148 = arith.index_cast %add3A_147 : i32 to index
        %get3A_149 = tpu.vector_load %arg6[%get3A_148] {strides = array<i32>} : memref<16384xi32, #tpu.memory_space<vmem>>, vector<16xi32>,
        %add3A_150 = arith.constant 12288 : i32
        %add3A_151 = arith.addi %add3A_150, %add3A_119 : i32
        %add3A_152 = arith.constant 80 : i32
        %add3A_153 = arith.addi %add3A_151, %add3A_152 : i32
        %get3A_154 = arith.index_cast %add3A_153 : i32 to index
        %get3A_155 = tpu.vector_load %arg6[%get3A_154] {strides = array<i32>} : memref<16384xi32, #tpu.memory_space<vmem>>, vector<16xi32>,
        %add3A_156 = arith.constant 12288 : i32
        %add3A_157 = arith.addi %add3A_156, %add3A_119 : i32
        %add3A_158 = arith.constant 96 : i32
        %add3A_159 = arith.addi %add3A_157, %add3A_158 : i32
        %get3A_160 = arith.index_cast %add3A_159 : i32 to index
        %get3A_161 = tpu.vector_load %arg6[%get3A_160] {strides = array<i32>} : memref<16384xi32, #tpu.memory_space<vmem>>, vector<16xi32>,
        %add3A_162 = arith.constant 12288 : i32
        %add3A_163 = arith.addi %add3A_162, %add3A_119 : i32
        %add3A_164 = arith.constant 112 : i32
        %add3A_165 = arith.addi %add3A_163, %add3A_164 : i32
        %get3A_166 = arith.index_cast %add3A_165 : i32 to index
        %get3A_167 = tpu.vector_load %arg6[%get3A_166] {strides = array<i32>} : memref<16384xi32, #tpu.memory_space<vmem>>, vector<16xi32>,
        %gather3A = tpu.vector_load_idx %arg5[%get3A_125] : memref<100000xf32, #tpu.memory_space<vmem>>[vector<16xi32>], vector<16xf32>,
        %gather3A_168 = tpu.vector_load_idx %arg5[%get3A_131] : memref<100000xf32, #tpu.memory_space<vmem>>[vector<16xi32>], vector<16xf32>,
        %gather3A_169 = tpu.vector_load_idx %arg5[%get3A_137] : memref<100000xf32, #tpu.memory_space<vmem>>[vector<16xi32>], vector<16xf32>,
        %gather3A_170 = tpu.vector_load_idx %arg5[%get3A_143] : memref<100000xf32, #tpu.memory_space<vmem>>[vector<16xi32>], vector<16xf32>,
        %gather3A_171 = tpu.vector_load_idx %arg5[%get3A_149] : memref<100000xf32, #tpu.memory_space<vmem>>[vector<16xi32>], vector<16xf32>,
        %gather3A_172 = tpu.vector_load_idx %arg5[%get3A_155] : memref<100000xf32, #tpu.memory_space<vmem>>[vector<16xi32>], vector<16xf32>,
        %gather3A_173 = tpu.vector_load_idx %arg5[%get3A_161] : memref<100000xf32, #tpu.memory_space<vmem>>[vector<16xi32>], vector<16xf32>,
        %gather3A_174 = tpu.vector_load_idx %arg5[%get3A_167] : memref<100000xf32, #tpu.memory_space<vmem>>[vector<16xi32>], vector<16xf32>,
        %add3A_175 = arith.constant 0 : i32
        %add3A_176 = arith.addi %add3A_119, %add3A_175 : i32
        %swap3A_177 = arith.index_cast %add3A_176 : i32 to index
        %swap3A_178 = tpu.vector_load %arg8[%swap3A_177] {strides = array<i32>} : memref<4096xf32, #tpu.memory_space<vmem>>, vector<16xf32>,
        tpu.vector_store %arg8[%swap3A_177], %gather3A {strides = array<i32>} : memref<4096xf32, #tpu.memory_space<vmem>>, vector<16xf32>,
        %add3A_179 = arith.constant 16 : i32
        %add3A_180 = arith.addi %add3A_119, %add3A_179 : i32
        %swap3A_181 = arith.index_cast %add3A_180 : i32 to index
        %swap3A_182 = tpu.vector_load %arg8[%swap3A_181] {strides = array<i32>} : memref<4096xf32, #tpu.memory_space<vmem>>, vector<16xf32>,
        tpu.vector_store %arg8[%swap3A_181], %gather3A_168 {strides = array<i32>} : memref<4096xf32, #tpu.memory_space<vmem>>, vector<16xf32>,
        %add3A_183 = arith.constant 32 : i32
        %add3A_184 = arith.addi %add3A_119, %add3A_183 : i32
        %swap3A_185 = arith.index_cast %add3A_184 : i32 to index
        %swap3A_186 = tpu.vector_load %arg8[%swap3A_185] {strides = array<i32>} : memref<4096xf32, #tpu.memory_space<vmem>>, vector<16xf32>,
        tpu.vector_store %arg8[%swap3A_185], %gather3A_169 {strides = array<i32>} : memref<4096xf32, #tpu.memory_space<vmem>>, vector<16xf32>,
        %add3A_187 = arith.constant 48 : i32
        %add3A_188 = arith.addi %add3A_119, %add3A_187 : i32
        %swap3A_189 = arith.index_cast %add3A_188 : i32 to index
        %swap3A_190 = tpu.vector_load %arg8[%swap3A_189] {strides = array<i32>} : memref<4096xf32, #tpu.memory_space<vmem>>, vector<16xf32>,
        tpu.vector_store %arg8[%swap3A_189], %gather3A_170 {strides = array<i32>} : memref<4096xf32, #tpu.memory_space<vmem>>, vector<16xf32>,
        %add3A_191 = arith.constant 64 : i32
        %add3A_192 = arith.addi %add3A_119, %add3A_191 : i32
        %swap3A_193 = arith.index_cast %add3A_192 : i32 to index
        %swap3A_194 = tpu.vector_load %arg8[%swap3A_193] {strides = array<i32>} : memref<4096xf32, #tpu.memory_space<vmem>>, vector<16xf32>,
        tpu.vector_store %arg8[%swap3A_193], %gather3A_171 {strides = array<i32>} : memref<4096xf32, #tpu.memory_space<vmem>>, vector<16xf32>,
        %add3A_195 = arith.constant 80 : i32
        %add3A_196 = arith.addi %add3A_119, %add3A_195 : i32
        %swap3A_197 = arith.index_cast %add3A_196 : i32 to index
        %swap3A_198 = tpu.vector_load %arg8[%swap3A_197] {strides = array<i32>} : memref<4096xf32, #tpu.memory_space<vmem>>, vector<16xf32>,
        tpu.vector_store %arg8[%swap3A_197], %gather3A_172 {strides = array<i32>} : memref<4096xf32, #tpu.memory_space<vmem>>, vector<16xf32>,
        %add3A_199 = arith.constant 96 : i32
        %add3A_200 = arith.addi %add3A_119, %add3A_199 : i32
        %swap3A_201 = arith.index_cast %add3A_200 : i32 to index
        %swap3A_202 = tpu.vector_load %arg8[%swap3A_201] {strides = array<i32>} : memref<4096xf32, #tpu.memory_space<vmem>>, vector<16xf32>,
        tpu.vector_store %arg8[%swap3A_201], %gather3A_173 {strides = array<i32>} : memref<4096xf32, #tpu.memory_space<vmem>>, vector<16xf32>,
        %add3A_203 = arith.constant 112 : i32
        %add3A_204 = arith.addi %add3A_119, %add3A_203 : i32
        %swap3A_205 = arith.index_cast %add3A_204 : i32 to index
        %swap3A_206 = tpu.vector_load %arg8[%swap3A_205] {strides = array<i32>} : memref<4096xf32, #tpu.memory_space<vmem>>, vector<16xf32>,
        tpu.vector_store %arg8[%swap3A_205], %gather3A_174 {strides = array<i32>} : memref<4096xf32, #tpu.memory_space<vmem>>, vector<16xf32>,
      }
      %scan3A_102 = arith.constant 32 : i32
      %dma_start3A_103 = arith.constant 12288 : i32
      %dma_start3A_104 = tpu.memref_slice %arg4[%add3A_33, %dma_start3A_103] : memref<832x16384xf32, #tpu.memory_space<hbm>> -> memref<1x4096xf32, #tpu.memory_space<hbm>>
      %dma_start3A_105 = tpu.memref_squeeze %dma_start3A_104 : memref<1x4096xf32, #tpu.memory_space<hbm>> -> memref<4096xf32, #tpu.memory_space<hbm>>
      %dma_start3A_106 = arith.constant 12288 : i32
      %dma_start3A_107 = tpu.memref_slice %arg4[%add3A_33, %dma_start3A_106] : memref<832x16384xf32, #tpu.memory_space<hbm>> -> memref<1x4096xf32, #tpu.memory_space<hbm>>
      %dma_start3A_108 = tpu.memref_squeeze %dma_start3A_107 : memref<1x4096xf32, #tpu.memory_space<hbm>> -> memref<4096xf32, #tpu.memory_space<hbm>>
      tpu.enqueue_dma source(%arg8 : memref<4096xf32, #tpu.memory_space<vmem>>) target(%dma_start3A_108 : memref<4096xf32, #tpu.memory_space<hbm>>) target_semaphore(%arg11 : memref<!tpu.dma_semaphore, #tpu.memory_space<semaphore_mem>>)
      %add3A_109 = arith.constant 1 : i32
      %add3A_110 = arith.addi %add3A_32, %add3A_109 : i32
      %lt3A = arith.constant 26 : i32
      %lt3A_111 = arith.cmpi slt, %add3A_110, %lt3A : i32
      %convert_element_type3A_112 = arith.extui %lt3A_111 : i1 to i32
      %cond3A_113 = arith.constant 0 : i32
      %cond3A_114 = arith.cmpi ne, %convert_element_type3A_112, %cond3A_113 : i32
      scf.if %cond3A_114 {
        %add3A_115 = arith.constant 1 : i32
        %add3A_116 = arith.addi %add3A_33, %add3A_115 : i32
        %dma_start3A_117 = arith.constant 0 : i32
        %dma_start3A_118 = tpu.memref_slice %arg2[%add3A_116, %dma_start3A_117] : memref<832x100000xf32, #tpu.memory_space<hbm>> -> memref<1x100000xf32, #tpu.memory_space<hbm>>
        %dma_start3A_119 = tpu.memref_squeeze %dma_start3A_118 : memref<1x100000xf32, #tpu.memory_space<hbm>> -> memref<100000xf32, #tpu.memory_space<hbm>>
        %dma_start3A_120 = arith.constant 0 : i32
        %dma_start3A_121 = tpu.memref_slice %arg2[%add3A_116, %dma_start3A_120] : memref<832x100000xf32, #tpu.memory_space<hbm>> -> memref<1x100000xf32, #tpu.memory_space<hbm>>
        %dma_start3A_122 = tpu.memref_squeeze %dma_start3A_121 : memref<1x100000xf32, #tpu.memory_space<hbm>> -> memref<100000xf32, #tpu.memory_space<hbm>>
        tpu.enqueue_dma source(%dma_start3A_122 : memref<100000xf32, #tpu.memory_space<hbm>>) target(%arg5 : memref<100000xf32, #tpu.memory_space<vmem>>) target_semaphore(%arg10 : memref<!tpu.dma_semaphore, #tpu.memory_space<semaphore_mem>>)
      } else {
      }
    }
    %scan3A_14 = arith.constant 26 : i32
    %dma_wait3A = arith.constant 0 : i32
    %dma_wait3A_15 = arith.constant 0 : i32
    %dma_wait3A_16 = tpu.memref_slice %arg4[%dma_wait3A, %dma_wait3A_15] : memref<832x16384xf32, #tpu.memory_space<hbm>> -> memref<1x4096xf32, #tpu.memory_space<hbm>>
    %dma_wait3A_17 = tpu.memref_squeeze %dma_wait3A_16 : memref<1x4096xf32, #tpu.memory_space<hbm>> -> memref<4096xf32, #tpu.memory_space<hbm>>
    %dma_wait3A_18 = arith.constant 0 : i32
    %dma_wait3A_19 = tpu.memref_slice %arg4[%dma_wait3A, %dma_wait3A_18] : memref<832x16384xf32, #tpu.memory_space<hbm>> -> memref<1x4096xf32, #tpu.memory_space<hbm>>
    %dma_wait3A_20 = tpu.memref_squeeze %dma_wait3A_19 : memref<1x4096xf32, #tpu.memory_space<hbm>> -> memref<4096xf32, #tpu.memory_space<hbm>>
    tpu.wait_dma2 semaphore(%arg11 : memref<!tpu.dma_semaphore, #tpu.memory_space<semaphore_mem>>) src(%arg7 : memref<4096xf32, #tpu.memory_space<vmem>>) dst(%dma_wait3A_20 : memref<4096xf32, #tpu.memory_space<hbm>>)
    %dma_wait3A_21 = arith.constant 0 : i32
    %dma_wait3A_22 = arith.constant 0 : i32
    %dma_wait3A_23 = tpu.memref_slice %arg4[%dma_wait3A_21, %dma_wait3A_22] : memref<832x16384xf32, #tpu.memory_space<hbm>> -> memref<1x4096xf32, #tpu.memory_space<hbm>>
    %dma_wait3A_24 = tpu.memref_squeeze %dma_wait3A_23 : memref<1x4096xf32, #tpu.memory_space<hbm>> -> memref<4096xf32, #tpu.memory_space<hbm>>
    %dma_wait3A_25 = arith.constant 0 : i32
    %dma_wait3A_26 = tpu.memref_slice %arg4[%dma_wait3A_21, %dma_wait3A_25] : memref<832x16384xf32, #tpu.memory_space<hbm>> -> memref<1x4096xf32, #tpu.memory_space<hbm>>
    %dma_wait3A_27 = tpu.memref_squeeze %dma_wait3A_26 : memref<1x4096xf32, #tpu.memory_space<hbm>> -> memref<4096xf32, #tpu.memory_space<hbm>>
    tpu.wait_dma2 semaphore(%arg11 : memref<!tpu.dma_semaphore, #tpu.memory_space<semaphore_mem>>) src(%arg7 : memref<4096xf32, #tpu.memory_space<vmem>>) dst(%dma_wait3A_27 : memref<4096xf32, #tpu.memory_space<hbm>>)
    return
  }
}

</mosaic_0001>

<sc_bundles>
// kernel: kernel.3.cloned.1.call-start
scs
__scs_entry_jumppad:
0x0: {  	(pc) =	sbr.rel $0x88, $3  }
0x1: {  	(tag) =	ssettag $0x0;
	lr =	simm.s32 $0x1  }
0x2: {  	[smem:$0x3F9F] =	sst lr;
	_ =	strace $0xD0000000  }
0x3: {  	_ = 	snop  }
0x4: {  	_ = 	snop  }
0x5: {  	_ = 	snop  }
0x6: {  	_ = 	snop  }
0x7: {  	_ = 	snop  }
__scs_overlays_trampoline_lowered:
0x8: {  	[smem:$0x3FAE] =	sst s0  }
0x9: {  	[smem:$0x3FAF] =	sst s1  }
0xa: {  	[smem:$0x3FB0] =	sst s2  }
0xb: {  	[smem:$0x3FB1] =	sst s3  }
0xc: {  	[smem:$0x3FB2] =	sst s4  }
0xd: {  	[smem:$0x3FB3] =	sst s5  }
0xe: {  	[smem:$0x3FB4] =	sst s6  }
0xf: {  	[smem:$0x3FB5] =	sst s7  }
0x10: {  	[smem:$0x3FB6] =	sst s8  }
0x11: {  	[smem:$0x3FB7] =	sst s9;
	s0 =	simm.s32 @!p0 $0x0  }
0x12: {  	s1 =	sld [smem:$0x3F9D];
	s0 =	simm.s32 @p0 $0x1  }
0x13: {  	[smem:$0x3FB8] =	sst s0;
	s0 =	simm.s32 @!p1 $0x0  }
0x14: {  	s2 =	sld [smem:$0x3F9C];
	s0 =	simm.s32 @p1 $0x1  }
0x15: {  	[smem:$0x3FB9] =	sst s0;
	s0 =	simm.s32 @!p2 $0x0  }
0x16: {  	s3 =	sld [smem:$0x3FDB];
	s0 =	simm.s32 @p2 $0x1  }
0x17: {  	s4 =	simm.s32 $0x1BF5;
	[smem:$0x3FBB] =	sst s0  }
0x18: {  	s0 =	sld [smem:$0x3F9E];
	_ =	swait.ge [sflag:s4], $0x0  }
0x19: {  	s7 =	sld [smem:$0x3F9F]  }
0x1a: {  	s8 =	sadd.s32 $0xFFFFE003, lr  }
0x1b: {  	s9 =	sadd.s32 $0xFFFFFEF7, lr;
	s5 =	simm.s32 $0xFFFFFFFF;
	p2 =	slt.u32 s8, $0xFFFFF086  }
0x1c: {  	p1 =	slt.u32 s9, $0xF7A;
	s5 =	simm.s32 @!p2 $0x0  }
0x1d: {  	s5 =	simm.s32 @p1 $0x1;
	p0 =	seq.s32 s7, s2  }
0x1e: {  	s7 =	smul.u32 @!p0 $0xF7A, s2;
	p2 =	seq.s32 @!p0 s5, $0x0  }
0x1f: {  	s9 =	smul.u32 $0xF7A, s1;
	s8 =	simm.s32 @!p0 $0x1BF5;
	p2 =	por !p2, p0  }
0x20: {  	[sflag:s8] =	ssyncset.s32 @!p0 $0xFFFFF086;
	s6 =	sadd.s32 @!p0 s3, s7;
	s7 =	simm.s32 @!p0 $0x108  }
0x21: {  	s3 =	sadd.s32 s3, s9;
	s6 =	sadd.s32 @!p0 $0x88, s6;
	s7 =	simm.s32 @p2 $0x1082  }
0x22: {  	[simem:s7], [sflag:s8] =	dma.local @!p0 [hbm:s6], $0xF7A  }
0x23: {  	s9 =	sor.u32 $0xD0000000, s2;
	s6 =	simm.s32 $0x108;
	_ =	swait.ge @!p0 [sflag:s8], $0x0  }
0x24: {  	s3 =	sadd.s32 $0x88, s3;
	s6 =	simm.s32 @!p1 $0x1082;
	[sflag:s4] =	ssyncset.s32 $0xFFFFF086  }
0x25: {  	[simem:s6], [sflag:s4] =	dma.local [hbm:s3], $0xF7A  }
0x26: {  	[smem:$0x3F9F] =	sst s1;
	(tag) =	ssettag s2;
	_ =	strace s9  }
0x27: {  	s1 =	sld [smem:$0x3FAF]  }
0x28: {  	s2 =	sld [smem:$0x3FB0]  }
0x29: {  	s4 =	sld [smem:$0x3FB2]  }
0x2a: {  	p0 =	seq.s32 s5, $0x0;
	s5 =	sld [smem:$0x3FB3]  }
0x2b: {  	s6 =	sld [smem:$0x3FB4]  }
0x2c: {  	s7 =	sld [smem:$0x3FB5]  }
0x2d: {  	s3 =	simm.s32 $0x108;
	s8 =	sld [smem:$0x3FB6]  }
0x2e: {  	s3 =	simm.s32 @!p0 $0x1082;
	s9 =	sld [smem:$0x3FB7]  }
0x2f: {  	lr =	sadd.s32 s0, s3;
	s0 =	sld [smem:$0x3FAE]  }
0x30: {  	s3 =	sld [smem:$0x3FB1]  }
0x31: {  	[smem:$0x3FBA] =	sst s10  }
0x32: {  	s10 =	sld [smem:$0x3FB8];
	_ =	sdelay $0x3  }
0x33: {  	p0 =	seq.s32 s10, $0x1;
	s10 =	sld [smem:$0x3FBA];
	_ =	sdelay $0x3  }
0x34: {  	[smem:$0x3FBA] =	sst s10  }
0x35: {  	s10 =	sld [smem:$0x3FB9];
	_ =	sdelay $0x3  }
0x36: {  	p1 =	seq.s32 s10, $0x1;
	s10 =	sld [smem:$0x3FBA];
	_ =	sdelay $0x3  }
0x37: {  	[smem:$0x3FBA] =	sst s10  }
0x38: {  	s10 =	sld [smem:$0x3FBB]  }
0x39: {  	_ = 	snop;
	(pc) =	sbr.ind lr, $3  }
0x3a: {  	_ = 	snop  }
0x3b: {  	_ = 	snop  }
0x3c: {  	p2 =	seq.s32 s10, $0x1;
	s10 =	sld [smem:$0x3FBA]  }
0x3d: {  	_ =	shalt  }
0x3e: {  	_ =	shalt  }
0x3f: {  	_ =	shalt  }
0x40: {  	_ =	shalt  }
0x41: {  	_ =	shalt  }
0x42: {  	_ =	shalt  }
0x43: {  	_ =	shalt  }
0x44: {  	_ =	shalt  }
0x45: {  	_ =	shalt  }
0x46: {  	_ =	shalt  }
0x47: {  	_ =	shalt  }
0x48: {  	_ =	shalt  }
0x49: {  	_ =	shalt  }
0x4a: {  	_ =	shalt  }
0x4b: {  	_ =	shalt  }
0x4c: {  	_ =	shalt  }
0x4d: {  	_ =	shalt  }
0x4e: {  	_ =	shalt  }
0x4f: {  	_ =	shalt  }
0x50: {  	_ =	shalt  }
0x51: {  	_ =	shalt  }
0x52: {  	_ =	shalt  }
0x53: {  	_ =	shalt  }
0x54: {  	_ =	shalt  }
0x55: {  	_ =	shalt  }
0x56: {  	_ =	shalt  }
0x57: {  	_ =	shalt  }
0x58: {  	_ =	shalt  }
0x59: {  	_ =	shalt  }
0x5a: {  	_ =	shalt  }
0x5b: {  	_ =	shalt  }
0x5c: {  	_ =	shalt  }
0x5d: {  	_ =	shalt  }
0x5e: {  	_ =	shalt  }
0x5f: {  	_ =	shalt  }
0x60: {  	_ =	shalt  }
0x61: {  	_ =	shalt  }
0x62: {  	_ =	shalt  }
0x63: {  	_ =	shalt  }
0x64: {  	_ =	shalt  }
0x65: {  	_ =	shalt  }
0x66: {  	_ =	shalt  }
0x67: {  	_ =	shalt  }
0x68: {  	_ =	shalt  }
0x69: {  	_ =	shalt  }
0x6a: {  	_ =	shalt  }
0x6b: {  	_ =	shalt  }
0x6c: {  	_ =	shalt  }
0x6d: {  	_ =	shalt  }
0x6e: {  	_ =	shalt  }
0x6f: {  	_ =	shalt  }
0x70: {  	_ =	shalt  }
0x71: {  	_ =	shalt  }
0x72: {  	_ =	shalt  }
0x73: {  	_ =	shalt  }
0x74: {  	_ =	shalt  }
0x75: {  	_ =	shalt  }
0x76: {  	_ =	shalt  }
0x77: {  	_ =	shalt  }
0x78: {  	_ =	shalt  }
0x79: {  	_ =	shalt  }
0x7a: {  	_ =	shalt  }
0x7b: {  	_ =	shalt  }
0x7c: {  	_ =	shalt  }
0x7d: {  	_ =	shalt  }
0x7e: {  	_ =	shalt  }
0x7f: {  	_ =	shalt  }
0x80: {  	_ =	shalt  }
0x81: {  	_ =	shalt  }
0x82: {  	_ =	shalt  }
0x83: {  	_ =	shalt  }
0x84: {  	_ =	shalt  }
0x85: {  	_ =	shalt  }
0x86: {  	_ =	shalt  }
0x87: {  	_ =	shalt  }
.Lfunc_end0:
.L_simem_size_0:
called_computation_lowered:
.L_overlay_start_0:
0x88: {  	s2 =	sld [smem:$0x3FD9]  }
0x89: {  	s3 =	sld [smem:$0x3FFE];
	_ =	sdelay $0x1  }
0x8a: {  	s1 =	srdreg.scid  }
0x8b: {  	s0 =	sand.u32 $0x1, s1  }
0x8c: {  	s18 =	sshll.u32 s0, $0xA;
	s2 =	sadd.s32 s3, s2  }
0x8d: {  	s2 =	sadd.s32 s2, s18  }
0x8e: {  	[smem:$0x3FC6] =	sst s2  }
0x8f: {  	_ = 	snop  }
0x90: {  	s2 =	sld [smem:$0x3FC9]  }
0x91: {  	s19 =	sld [smem:$0x3FC8]  }
0x92: {  	s4 =	sld [smem:$0x3FD0];
	(tm) =	ssettm $0x1  }
0x93: {  	s5 =	sld [smem:$0x3FFB];
	_ =	sdelay $0x3  }
0x94: {  	_ =	strace s5  }
0x95: {  	s5 =	sld [smem:$0x3FFC];
	_ =	sdelay $0x3  }
0x96: {  	_ =	strace s5  }
0x97: {  	s5 =	sld [smem:$0x3FFD];
	_ =	sdelay $0x3  }
0x98: {  	_ =	strace s5  }
0x99: {  	_ =	strace $0x8FFFFFFF  }
0x9a: {  	s20 =	sld [smem:$0x3FDB];
	_ =	sdelay $0x1  }
0x9b: {  	s6 =	simm.s32 $_scs_section_size  }
0x9c: {  	s7 =	simm.s32 $_size__tile_overlayer_lowered;
	s8 =	simm.s32 $_tile_overlayer_lowered  }
0x9d: {  	s23 =	simm.s32 $0x1BFF;
	s22 =	sshll.u32 s8, $0x1;
	s5 =	sadd.s32 s6, s20  }
0x9e: {  	s9 =	simm.s32 $0x0;
	s21 =	sshll.u32 s7, $0x1;
	s7 =	sadd.s32 s22, s5  }
0x9f: {  	[timem:s9], [sflag:s23] =	dma.local [hbm:s7], s21  }
0xa0: {  	_ =	swait.ge [sflag:s23], s21  }
0xa1: {  	s6 =	ssub.s32 $0x0, s21;
	[sflag:s23] =	ssyncset.done $0x0  }
0xa2: {  	[sflag:s23] =	ssyncadd.s32 s6;
	_ =	sdelay $0x1  }
0xa3: {  	s24 =	simm.s32 $0x1B8B  }
0xa4: {  	_ =	swait.ge [sflag:s24], $0x1  }
0xa5: {  	[sflag:s24] =	ssyncset.done $0x0  }
0xa6: {  	s25 =	simm.s32 $0x1B8E;
	[sflag:s24] =	ssyncadd.s32 $0xFFFFFFFF  }
0xa7: {  	s26 =	simm.s32 $execute0_lowered;
	[smem:$0x3FD2] =	sst s25  }
0xa8: {  	s6 =	sshll.u32 s26, $0x1;
	_ =	strace $0x80000046;
	[dreg:$0x1] =	wrdreg $0xFFFFFFFF  }
0xa9: {  	s28 =	simm.s32 $_size_execute0_lowered;
	s5 =	sadd.s32 s5, s6;
	[dreg:$0x0] =	wrdreg $0x0  }
0xaa: {  	s6 =	sshll.u32 s28, $0x1;
	[dreg:$0x2] =	wrdreg s5  }
0xab: {  	[dreg:$0x3] =	wrdreg s6  }
0xac: {  	[dreg:$0x4] =	wrdreg $0xC0  }
0xad: {  	_ =	task [dreg:s9], $0x5FFFF  }
0xae: {  	[dreg:$0x1] =	wrdreg $0xFFFFFFFF  }
0xaf: {  	[dreg:$0x0] =	wrdreg $0x60  }
0xb0: {  	[dreg:$0x2] =	wrdreg s19  }
0xb1: {  	[dreg:$0x3] =	wrdreg s2  }
0xb2: {  	[dreg:$0x4] =	wrdreg s4  }
0xb3: {  	[dreg:$0x5] =	wrdreg $0x9  }
0xb4: {  	_ =	task.clear_ibuf [dreg:s9], $0x6FFFF;
	_ =	strace $0x90000046  }
0xb5: {  	s29 =	simm.s32 $0x9;
	_ =	strace $0x80000048  }
0xb6: {  	_ =	swait.ge [sflag:s29], $0x1  }
0xb7: {  	[sflag:s29] =	ssyncadd.s32 $0xFFFFFFFF  }
0xb8: {  	_ =	strace $0x90000048  }
0xb9: {  	_ =	sfence  }
0xba: {  	s30 =	sld [smem:$0x0];
	_ =	sdelay $0x2  }
0xbb: {  	s31 =	sshll.u32 s1, $0xD;
	s1 =	sshrl.u32 s1, $0x2  }
0xbc: {  	s3 =	sand.u32 $0x4000, s31;
	s1 =	sadd.s32 s1, s30  }
0xbd: {  	s0 =	sor.u32 s3, s0;
	s1 =	sshll.u32 s1, $0x11  }
0xbe: {  	s0 =	sor.u32 s1, s0  }
0xbf: {  	s0 =	sadd.s32 $0x8F2B, s0  }
0xc0: {  	[sflag:s0] =	ssyncadd.remote.s32 $0x1  }
0xc1: {  	_ =	sfence.sel $0xFFFF  }
0xc2: {  	[dreg:$0x0] =	wrdreg $0xFFFFFFFF;
	(pc) =	sbr.abs _section_cstart, $3  }
0xc3: {  	[dreg:$0x1] =	wrdreg $0xFFFFFFFF  }
0xc4: {  	_ =	task.clear_ibuf [dreg:s9], $0x2FFFF;
	_ =	strace $0x9FFFFFFF  }
0xc5: {  	(tm) =	ssettm $0x7FFFFFFF  }
tec
execute0_lowered:
.L_overlay_start_1:
0x0: {  	(tag) =	ssettag $0x1  }
0x1: {  	s1 =	srdreg.scid;
	s2 =	rddreg [dreg:$0x0]  }
0x2: {  	s0 =	stileid.u32;
	s4 =	rddreg [dreg:$0x1]  }
0x3: {  	s5 =	rddreg [dreg:$0x2];
	s7 =	sand.u32 $0x1, s1;
	s30 =	sshll.u32 s0, $0x1  }
0x4: {  	s12 =	simm.s32 $0x80;
	s13 =	simm.s32 $0x400;
	s6 =	sor.u32 s7, s30  }
0x5: {  	s14 =	simm.s32 $0x1;
	s15 =	simm.s32 $0x1C700;
	s3 =	smul.u32 $0x1A, s6  }
0x6: {  	s16 =	simm.s32 $0x1D700;
	s17 =	simm.s32 $0x2;
	s18 =	simm.s32 $0x0  }
0x7: {  	s1 =	rddreg [dreg:$0x3];
	s7 =	ssub.s32 $0x2, s7;
	s8 =	sshrl.u32 s3, $0x3  }
0x8: {  	s9 =	sshll.u32 s6, $0x8;
	s6 =	simm.s32 $0x0;
	s8 =	smul.u32 $0xC3800, s8  }
0x9: {  	s10 =	sshrl.u32 s7, $0x1;
	s9 =	sand.u32 $0x300, s9;
	[smem:$0x7FF] =	sst s6  }
0xa: {  	s11 =	ssub.s32 s7, s10;
	s10 =	sadd.s32 $0x3000, s5;
	s8 =	sor.u32 s9, s8  }
0xb: {  	_ =	strace $0x80000047;
	s11 =	smax.u32 s11, $0x1;
	s31 =	sshrl.u32 s8, $0x3  }
0xc: {  	s9 =	sadd.s32 $0x2000, s5;
	s8 =	sadd.s32 $0x1000, s5;
	s7 =	sadd.s32 s2, s31  }
.LBB2_1:
0xd: {  	[tilespmem:s6], [sflag:$0x1] =	stream.strided.gather [hbm4b:s7+s12], $0x18700, s13, s12, $0x38;
	[tilespmem:$0x1E700] =	vst v63  }
0xe: {  	s20 =	simm.s32 $0xFFFFFFFF  }
0xf: {  	s19 =	simm.s32 $0x0;
	[smem:$0x0] =	sst s20  }
.LBB2_2:
0x10: {  	s21 =	sadd.s32 s3, s19  }
0x11: {  	s23 =	smov.u32 s20;
	s20 =	sshrl.u32 s21, $0x5  }
0x12: {  	p1 =	seq.s32 s20, s23  }
0x13: {  	s22 =	sshll.u32 @!p1 s21, $0x6  }
0x14: {  	s24 =	sshll.u32 @!p1 s20, $0x4;
	s22 =	sand.u32 @!p1 $0xFFFC000, s22  }
0x15: {  	s25 =	simm.s32 @!p1 $0x400;
	s24 =	sand.u32 @!p1 $0x70, s24;
	s22 =	sadd.s32 @!p1 s4, s22  }
0x16: {  	s26 =	simm.s32 @!p1 $0x18700;
	s22 =	sadd.s32 @!p1 s24, s22;
	s24 =	simm.s32 @!p1 $0x80  }
0x17: {  	[tilespmem:s26], [sflag:$0x3] =	stream.strided.gather @!p1 [hbm4b:s22+s24], $0x4000, s25, s24, $0x38;
	[tilespmem:$0x1E700] =	vst v63  }
0x18: {  	s22 =	simm.s32 @!p1 $0x3  }
0x19: {  	_ =	swait.ge @!p1 [sflag:s22], $0x4000  }
0x1a: {  	[sflag:s22] =	ssyncset.done @!p1 $0x0  }
0x1b: {  	[sflag:s22] =	ssyncadd.s32 @!p1 $0xFFFFC000  }
0x1c: {  	[smem:$0x0] =	sst @!p1 s20  }
0x1d: {  	_ =	swait.ge [sflag:s14], $0x18700  }
0x1e: {  	p0 =	seq.s32 s19, $0x0;
	[sflag:s14] =	ssyncset.done $0x0  }
0x1f: {  	s22 =	simm.s32 @!p0 $0x2;
	[sflag:s14] =	ssyncadd.s32 $0xFFFE7900  }
0x20: {  	_ =	swait.ge @!p0 [sflag:s22], $0x1000  }
0x21: {  	[sflag:s22] =	ssyncset.done @!p0 $0x0  }
0x22: {  	[sflag:s22] =	ssyncadd.s32 @!p0 $0xFFFFF000;
	s22 =	simm.s32 $0x0  }
0x23: {  	v0 =	vld [tilespmem:s22+$0x18700]  }
0x24: {  	v1 =	vld [tilespmem:s22+$0x18770]  }
0x25: {  	v2 =	vld [tilespmem:s22+$0x18710]  }
0x26: {  	v3 =	vld [tilespmem:s22+$0x18720]  }
0x27: {  	v4 =	vld [tilespmem:s22+$0x18730]  }
0x28: {  	v7 =	vld [tilespmem:s22+$0x18740]  }
0x29: {  	v8 =	vld [tilespmem:s22+$0x18750]  }
0x2a: {  	v9 =	vld [tilespmem:s22+$0x18760]  }
0x2b: {  	v10 =	vld.idx.msk [tilespmem:v0+s6+$0x0], $0xffff  }
0x2c: {  	v1 =	vld.idx.msk [tilespmem:v1+s6+$0x0], $0xffff  }
0x2d: {  	v6 =	vld.idx.msk [tilespmem:v2+s6+$0x0], $0xffff  }
0x2e: {  	v5 =	vld.idx.msk [tilespmem:v3+s6+$0x0], $0xffff  }
0x2f: {  	v4 =	vld.idx.msk [tilespmem:v4+s6+$0x0], $0xffff  }
0x30: {  	v3 =	vld.idx.msk [tilespmem:v7+s6+$0x0], $0xffff  }
0x31: {  	v2 =	vld.idx.msk [tilespmem:v8+s6+$0x0], $0xffff  }
0x32: {  	s31 =	sshll.u32 s21, $0x4;
	s24 =	simm.s32 $0x80;
	v0 =	vld.idx.msk [tilespmem:v9+s6+$0x0], $0xffff;
	[tilespmem:s22+$0x1C770] =	vst v1  }
0x33: {  	s25 =	simm.s32 $0x400;
	s20 =	smov.u32 @p1 s23;
	s23 =	sand.u32 $0x70, s31;
	v1 =	vld [tilespmem:s24+$0x18700];
	[tilespmem:s22+$0x1C700] =	vst v10  }
.LBB2_3:
0x34: {  	p1 =	sne.s32 s25, $0x3E00;
	v7 =	vld [tilespmem:s24+$0x18770];
	[tilespmem:s22+$0x1C710] =	vst v6  }
0x35: {  	v6 =	vld [tilespmem:s24+$0x18710];
	[tilespmem:s22+$0x1C720] =	vst v5  }
0x36: {  	v5 =	vld [tilespmem:s24+$0x18720];
	[tilespmem:s22+$0x1C730] =	vst v4  }
0x37: {  	v4 =	vld [tilespmem:s24+$0x18730];
	[tilespmem:s22+$0x1C740] =	vst v3  }
0x38: {  	v3 =	vld [tilespmem:s24+$0x18740];
	[tilespmem:s22+$0x1C750] =	vst v2  }
0x39: {  	v2 =	vld [tilespmem:s24+$0x18750];
	[tilespmem:s22+$0x1C760] =	vst v0;
	s22 =	smov.u32 s24  }
0x3a: {  	v0 =	vld [tilespmem:s22+$0x18760]  }
0x3b: {  	v8 =	vld.idx.msk [tilespmem:v1+s6+$0x0], $0xffff  }
0x3c: {  	v1 =	vld.idx.msk [tilespmem:v7+s6+$0x0], $0xffff  }
0x3d: {  	v6 =	vld.idx.msk [tilespmem:v6+s6+$0x0], $0xffff  }
0x3e: {  	v5 =	vld.idx.msk [tilespmem:v5+s6+$0x0], $0xffff  }
.Ltmp0:
0x3f: {  	v4 =	vld.idx.msk [tilespmem:v4+s6+$0x0], $0xffff;
	(pc) =	sbr.rel @p1 .LBB2_3-.Ltmp0, $4  }
0x40: {  	v3 =	vld.idx.msk [tilespmem:v3+s6+$0x0], $0xffff  }
0x41: {  	v2 =	vld.idx.msk [tilespmem:v2+s6+$0x0], $0xffff  }
0x42: {  	s24 =	sshra.s32 s25, $0x2;
	v0 =	vld.idx.msk [tilespmem:v0+s6+$0x0], $0xffff;
	[tilespmem:s22+$0x1C770] =	vst v1  }
0x43: {  	s25 =	sadd.s32 $0x200, s25;
	v1 =	vld [tilespmem:s24+$0x18700];
	[tilespmem:s22+$0x1C700] =	vst v8  }
0x44: {  	_ = 	snop  }
0x45: {  	v7 =	vld [tilespmem:s24+$0x18770];
	[tilespmem:s22+$0x1C710] =	vst v6  }
0x46: {  	v6 =	vld [tilespmem:s24+$0x18710];
	[tilespmem:s22+$0x1C720] =	vst v5  }
0x47: {  	v5 =	vld [tilespmem:s24+$0x18720];
	[tilespmem:s22+$0x1C730] =	vst v4  }
0x48: {  	v4 =	vld [tilespmem:s24+$0x18730];
	[tilespmem:s22+$0x1C740] =	vst v3  }
0x49: {  	v3 =	vld [tilespmem:s24+$0x18740];
	[tilespmem:s22+$0x1C750] =	vst v2  }
0x4a: {  	v2 =	vld [tilespmem:s24+$0x18750];
	[tilespmem:s22+$0x1C760] =	vst v0  }
0x4b: {  	v0 =	vld [tilespmem:s24+$0x18760]  }
0x4c: {  	v1 =	vld.idx.msk [tilespmem:v1+s6+$0x0], $0xffff  }
0x4d: {  	v7 =	vld.idx.msk [tilespmem:v7+s6+$0x0], $0xffff  }
0x4e: {  	v6 =	vld.idx.msk [tilespmem:v6+s6+$0x0], $0xffff  }
0x4f: {  	v5 =	vld.idx.msk [tilespmem:v5+s6+$0x0], $0xffff  }
0x50: {  	v4 =	vld.idx.msk [tilespmem:v4+s6+$0x0], $0xffff  }
0x51: {  	v3 =	vld.idx.msk [tilespmem:v3+s6+$0x0], $0xffff  }
0x52: {  	v2 =	vld.idx.msk [tilespmem:v2+s6+$0x0], $0xffff  }
0x53: {  	v0 =	vld.idx.msk [tilespmem:v0+s6+$0x0], $0xffff;
	[tilespmem:s24+$0x1C770] =	vst v7  }
0x54: {  	[tilespmem:s24+$0x1C700] =	vst v1  }
0x55: {  	[tilespmem:s24+$0x1C710] =	vst v6  }
0x56: {  	[tilespmem:s24+$0x1C720] =	vst v5  }
0x57: {  	s31 =	sshll.u32 s21, $0xB;
	[tilespmem:s24+$0x1C730] =	vst v4  }
0x58: {  	s22 =	sand.u32 $0xFFFC000, s31;
	[tilespmem:s24+$0x1C740] =	vst v3  }
0x59: {  	s22 =	sor.u32 s23, s22;
	[tilespmem:s24+$0x1C750] =	vst v2  }
0x5a: {  	s23 =	sadd.s32 s5, s22;
	[tilespmem:s24+$0x1C760] =	vst v0  }
0x5b: {  	[hbm4b:s23+s12] =	stream.strided.scatter [tilespmem:s15], [sflag:$0x2], $0x1000, s13, s12, $0x38;
	[tilespmem:$0x1E700] =	vst v63  }
0x5c: {  	s23 =	simm.s32 @!p0 $0x2  }
0x5d: {  	_ =	swait.ge @!p0 [sflag:s23], $0x1000  }
0x5e: {  	[sflag:s23] =	ssyncset.done @!p0 $0x0  }
0x5f: {  	[sflag:s23] =	ssyncadd.s32 @!p0 $0xFFFFF000;
	s23 =	simm.s32 $0x40  }
0x60: {  	v0 =	vld [tilespmem:s23+$0x196C0]  }
0x61: {  	v1 =	vld [tilespmem:s23+$0x19730]  }
0x62: {  	v2 =	vld [tilespmem:s23+$0x196D0]  }
0x63: {  	v3 =	vld [tilespmem:s23+$0x196E0]  }
0x64: {  	v4 =	vld [tilespmem:s23+$0x196F0]  }
0x65: {  	v7 =	vld [tilespmem:s23+$0x19700]  }
0x66: {  	v8 =	vld [tilespmem:s23+$0x19710]  }
0x67: {  	v9 =	vld [tilespmem:s23+$0x19720]  }
0x68: {  	v10 =	vld.idx.msk [tilespmem:v0+s6+$0x0], $0xffff  }
0x69: {  	v0 =	vld.idx.msk [tilespmem:v1+s6+$0x0], $0xffff  }
0x6a: {  	v6 =	vld.idx.msk [tilespmem:v2+s6+$0x0], $0xffff  }
0x6b: {  	v5 =	vld.idx.msk [tilespmem:v3+s6+$0x0], $0xffff  }
0x6c: {  	v4 =	vld.idx.msk [tilespmem:v4+s6+$0x0], $0xffff  }
0x6d: {  	v3 =	vld.idx.msk [tilespmem:v7+s6+$0x0], $0xffff  }
0x6e: {  	v2 =	vld.idx.msk [tilespmem:v8+s6+$0x0], $0xffff  }
0x6f: {  	s24 =	simm.s32 $0xC0;
	v1 =	vld.idx.msk [tilespmem:v9+s6+$0x0], $0xffff;
	[tilespmem:s23+$0x1D730] =	vst v0  }
0x70: {  	s25 =	simm.s32 $0x500;
	v0 =	vld [tilespmem:s24+$0x196C0];
	[tilespmem:s23+$0x1D6C0] =	vst v10  }
.LBB2_5:
0x71: {  	p0 =	sne.s32 s25, $0x3F00;
	v7 =	vld [tilespmem:s24+$0x19730];
	[tilespmem:s23+$0x1D6D0] =	vst v6  }
0x72: {  	v6 =	vld [tilespmem:s24+$0x196D0];
	[tilespmem:s23+$0x1D6E0] =	vst v5  }
0x73: {  	v5 =	vld [tilespmem:s24+$0x196E0];
	[tilespmem:s23+$0x1D6F0] =	vst v4  }
0x74: {  	v4 =	vld [tilespmem:s24+$0x196F0];
	[tilespmem:s23+$0x1D700] =	vst v3  }
0x75: {  	v3 =	vld [tilespmem:s24+$0x19700];
	[tilespmem:s23+$0x1D710] =	vst v2  }
0x76: {  	v2 =	vld [tilespmem:s24+$0x19710];
	[tilespmem:s23+$0x1D720] =	vst v1;
	s23 =	smov.u32 s24  }
0x77: {  	v1 =	vld [tilespmem:s23+$0x19720]  }
0x78: {  	v8 =	vld.idx.msk [tilespmem:v0+s6+$0x0], $0xffff  }
0x79: {  	v0 =	vld.idx.msk [tilespmem:v7+s6+$0x0], $0xffff  }
0x7a: {  	v6 =	vld.idx.msk [tilespmem:v6+s6+$0x0], $0xffff  }
0x7b: {  	v5 =	vld.idx.msk [tilespmem:v5+s6+$0x0], $0xffff  }
.Ltmp1:
0x7c: {  	v4 =	vld.idx.msk [tilespmem:v4+s6+$0x0], $0xffff;
	(pc) =	sbr.rel @p0 .LBB2_5-.Ltmp1, $4  }
0x7d: {  	v3 =	vld.idx.msk [tilespmem:v3+s6+$0x0], $0xffff  }
0x7e: {  	v2 =	vld.idx.msk [tilespmem:v2+s6+$0x0], $0xffff  }
0x7f: {  	s24 =	sshra.s32 s25, $0x2;
	v1 =	vld.idx.msk [tilespmem:v1+s6+$0x0], $0xffff;
	[tilespmem:s23+$0x1D730] =	vst v0  }
0x80: {  	s25 =	sadd.s32 $0x200, s25;
	v0 =	vld [tilespmem:s24+$0x196C0];
	[tilespmem:s23+$0x1D6C0] =	vst v8  }
0x81: {  	_ = 	snop  }
0x82: {  	v7 =	vld [tilespmem:s24+$0x19730];
	[tilespmem:s23+$0x1D6D0] =	vst v6  }
0x83: {  	v6 =	vld [tilespmem:s24+$0x196D0];
	[tilespmem:s23+$0x1D6E0] =	vst v5  }
0x84: {  	v5 =	vld [tilespmem:s24+$0x196E0];
	[tilespmem:s23+$0x1D6F0] =	vst v4  }
0x85: {  	v4 =	vld [tilespmem:s24+$0x196F0];
	[tilespmem:s23+$0x1D700] =	vst v3  }
0x86: {  	v3 =	vld [tilespmem:s24+$0x19700];
	[tilespmem:s23+$0x1D710] =	vst v2  }
0x87: {  	v2 =	vld [tilespmem:s24+$0x19710];
	[tilespmem:s23+$0x1D720] =	vst v1  }
0x88: {  	v1 =	vld [tilespmem:s24+$0x19720]  }
0x89: {  	v0 =	vld.idx.msk [tilespmem:v0+s6+$0x0], $0xffff  }
0x8a: {  	v7 =	vld.idx.msk [tilespmem:v7+s6+$0x0], $0xffff  }
0x8b: {  	v6 =	vld.idx.msk [tilespmem:v6+s6+$0x0], $0xffff  }
0x8c: {  	v5 =	vld.idx.msk [tilespmem:v5+s6+$0x0], $0xffff  }
0x8d: {  	v4 =	vld.idx.msk [tilespmem:v4+s6+$0x0], $0xffff  }
0x8e: {  	v3 =	vld.idx.msk [tilespmem:v3+s6+$0x0], $0xffff  }
0x8f: {  	v2 =	vld.idx.msk [tilespmem:v2+s6+$0x0], $0xffff  }
0x90: {  	v1 =	vld.idx.msk [tilespmem:v1+s6+$0x0], $0xffff;
	[tilespmem:s24+$0x1D730] =	vst v7  }
0x91: {  	[tilespmem:s24+$0x1D6C0] =	vst v0  }
0x92: {  	[tilespmem:s24+$0x1D6D0] =	vst v6  }
0x93: {  	[tilespmem:s24+$0x1D6E0] =	vst v5  }
0x94: {  	[tilespmem:s24+$0x1D6F0] =	vst v4  }
0x95: {  	[tilespmem:s24+$0x1D700] =	vst v3  }
0x96: {  	[tilespmem:s24+$0x1D710] =	vst v2  }
0x97: {  	s31 =	sadd.s32 s22, s8;
	[tilespmem:s24+$0x1D720] =	vst v1  }
0x98: {  	[hbm4b:s31+s12] =	stream.strided.scatter [tilespmem:s16], [sflag:$0x2], $0x1000, s13, s12, $0x38;
	[tilespmem:$0x1E700] =	vst v63  }
0x99: {  	_ =	swait.ge [sflag:s17], $0x1000  }
0x9a: {  	[sflag:s17] =	ssyncset.done $0x0  }
0x9b: {  	s23 =	simm.s32 $0x0;
	[sflag:s17] =	ssyncadd.s32 $0xFFFFF000  }
0x9c: {  	v0 =	vld [tilespmem:s23+$0x1A700]  }
0x9d: {  	v1 =	vld [tilespmem:s23+$0x1A770]  }
0x9e: {  	v2 =	vld [tilespmem:s23+$0x1A710]  }
0x9f: {  	v3 =	vld [tilespmem:s23+$0x1A720]  }
0xa0: {  	v4 =	vld [tilespmem:s23+$0x1A730]  }
0xa1: {  	v7 =	vld [tilespmem:s23+$0x1A740]  }
0xa2: {  	v8 =	vld [tilespmem:s23+$0x1A750]  }
0xa3: {  	v9 =	vld [tilespmem:s23+$0x1A760]  }
0xa4: {  	v10 =	vld.idx.msk [tilespmem:v0+s6+$0x0], $0xffff  }
0xa5: {  	v0 =	vld.idx.msk [tilespmem:v1+s6+$0x0], $0xffff  }
0xa6: {  	v6 =	vld.idx.msk [tilespmem:v2+s6+$0x0], $0xffff  }
0xa7: {  	v5 =	vld.idx.msk [tilespmem:v3+s6+$0x0], $0xffff  }
0xa8: {  	v4 =	vld.idx.msk [tilespmem:v4+s6+$0x0], $0xffff  }
0xa9: {  	v3 =	vld.idx.msk [tilespmem:v7+s6+$0x0], $0xffff  }
0xaa: {  	v2 =	vld.idx.msk [tilespmem:v8+s6+$0x0], $0xffff  }
0xab: {  	s25 =	simm.s32 $0x80;
	v1 =	vld.idx.msk [tilespmem:v9+s6+$0x0], $0xffff;
	[tilespmem:s23+$0x1C770] =	vst v0  }
0xac: {  	s26 =	simm.s32 $0x400;
	s24 =	sadd.s32 s22, s9;
	v0 =	vld [tilespmem:s25+$0x1A700];
	[tilespmem:s23+$0x1C700] =	vst v10  }
.LBB2_7:
0xad: {  	p0 =	sne.s32 s26, $0x3E00;
	v7 =	vld [tilespmem:s25+$0x1A770];
	[tilespmem:s23+$0x1C710] =	vst v6  }
0xae: {  	v6 =	vld [tilespmem:s25+$0x1A710];
	[tilespmem:s23+$0x1C720] =	vst v5  }
0xaf: {  	v5 =	vld [tilespmem:s25+$0x1A720];
	[tilespmem:s23+$0x1C730] =	vst v4  }
0xb0: {  	v4 =	vld [tilespmem:s25+$0x1A730];
	[tilespmem:s23+$0x1C740] =	vst v3  }
0xb1: {  	v3 =	vld [tilespmem:s25+$0x1A740];
	[tilespmem:s23+$0x1C750] =	vst v2  }
0xb2: {  	v2 =	vld [tilespmem:s25+$0x1A750];
	[tilespmem:s23+$0x1C760] =	vst v1;
	s23 =	smov.u32 s25  }
0xb3: {  	v1 =	vld [tilespmem:s23+$0x1A760]  }
0xb4: {  	v8 =	vld.idx.msk [tilespmem:v0+s6+$0x0], $0xffff  }
0xb5: {  	v0 =	vld.idx.msk [tilespmem:v7+s6+$0x0], $0xffff  }
0xb6: {  	v6 =	vld.idx.msk [tilespmem:v6+s6+$0x0], $0xffff  }
0xb7: {  	v5 =	vld.idx.msk [tilespmem:v5+s6+$0x0], $0xffff  }
.Ltmp2:
0xb8: {  	v4 =	vld.idx.msk [tilespmem:v4+s6+$0x0], $0xffff;
	(pc) =	sbr.rel @p0 .LBB2_7-.Ltmp2, $4  }
0xb9: {  	v3 =	vld.idx.msk [tilespmem:v3+s6+$0x0], $0xffff  }
0xba: {  	v2 =	vld.idx.msk [tilespmem:v2+s6+$0x0], $0xffff  }
0xbb: {  	s25 =	sshra.s32 s26, $0x2;
	v1 =	vld.idx.msk [tilespmem:v1+s6+$0x0], $0xffff;
	[tilespmem:s23+$0x1C770] =	vst v0  }
0xbc: {  	s26 =	sadd.s32 $0x200, s26;
	v0 =	vld [tilespmem:s25+$0x1A700];
	[tilespmem:s23+$0x1C700] =	vst v8  }
0xbd: {  	_ = 	snop  }
0xbe: {  	v7 =	vld [tilespmem:s25+$0x1A770];
	[tilespmem:s23+$0x1C710] =	vst v6  }
0xbf: {  	v6 =	vld [tilespmem:s25+$0x1A710];
	[tilespmem:s23+$0x1C720] =	vst v5  }
0xc0: {  	v5 =	vld [tilespmem:s25+$0x1A720];
	[tilespmem:s23+$0x1C730] =	vst v4  }
0xc1: {  	v4 =	vld [tilespmem:s25+$0x1A730];
	[tilespmem:s23+$0x1C740] =	vst v3  }
0xc2: {  	v3 =	vld [tilespmem:s25+$0x1A740];
	[tilespmem:s23+$0x1C750] =	vst v2  }
0xc3: {  	v2 =	vld [tilespmem:s25+$0x1A750];
	[tilespmem:s23+$0x1C760] =	vst v1  }
0xc4: {  	v1 =	vld [tilespmem:s25+$0x1A760]  }
0xc5: {  	v0 =	vld.idx.msk [tilespmem:v0+s6+$0x0], $0xffff  }
0xc6: {  	v7 =	vld.idx.msk [tilespmem:v7+s6+$0x0], $0xffff  }
0xc7: {  	v6 =	vld.idx.msk [tilespmem:v6+s6+$0x0], $0xffff  }
0xc8: {  	v5 =	vld.idx.msk [tilespmem:v5+s6+$0x0], $0xffff  }
0xc9: {  	v4 =	vld.idx.msk [tilespmem:v4+s6+$0x0], $0xffff  }
0xca: {  	v3 =	vld.idx.msk [tilespmem:v3+s6+$0x0], $0xffff  }
0xcb: {  	v2 =	vld.idx.msk [tilespmem:v2+s6+$0x0], $0xffff  }
0xcc: {  	v1 =	vld.idx.msk [tilespmem:v1+s6+$0x0], $0xffff;
	[tilespmem:s25+$0x1C770] =	vst v7  }
0xcd: {  	[tilespmem:s25+$0x1C700] =	vst v0  }
0xce: {  	[tilespmem:s25+$0x1C710] =	vst v6  }
0xcf: {  	[tilespmem:s25+$0x1C720] =	vst v5  }
0xd0: {  	[tilespmem:s25+$0x1C730] =	vst v4  }
0xd1: {  	[tilespmem:s25+$0x1C740] =	vst v3  }
0xd2: {  	[tilespmem:s25+$0x1C750] =	vst v2  }
0xd3: {  	[tilespmem:s25+$0x1C760] =	vst v1  }
0xd4: {  	[hbm4b:s24+s12] =	stream.strided.scatter [tilespmem:s15], [sflag:$0x2], $0x1000, s13, s12, $0x38;
	[tilespmem:$0x1E700] =	vst v63  }
0xd5: {  	_ =	swait.ge [sflag:s17], $0x1000  }
0xd6: {  	[sflag:s17] =	ssyncset.done $0x0  }
0xd7: {  	s23 =	simm.s32 $0x0;
	[sflag:s17] =	ssyncadd.s32 $0xFFFFF000  }
0xd8: {  	v0 =	vld [tilespmem:s23+$0x1B700]  }
0xd9: {  	v1 =	vld [tilespmem:s23+$0x1B770]  }
0xda: {  	v2 =	vld [tilespmem:s23+$0x1B710]  }
0xdb: {  	v3 =	vld [tilespmem:s23+$0x1B720]  }
0xdc: {  	v4 =	vld [tilespmem:s23+$0x1B730]  }
0xdd: {  	v7 =	vld [tilespmem:s23+$0x1B740]  }
0xde: {  	v8 =	vld [tilespmem:s23+$0x1B750]  }
0xdf: {  	v9 =	vld [tilespmem:s23+$0x1B760]  }
0xe0: {  	v10 =	vld.idx.msk [tilespmem:v0+s6+$0x0], $0xffff  }
0xe1: {  	v0 =	vld.idx.msk [tilespmem:v1+s6+$0x0], $0xffff  }
0xe2: {  	v6 =	vld.idx.msk [tilespmem:v2+s6+$0x0], $0xffff  }
0xe3: {  	v5 =	vld.idx.msk [tilespmem:v3+s6+$0x0], $0xffff  }
0xe4: {  	v4 =	vld.idx.msk [tilespmem:v4+s6+$0x0], $0xffff  }
0xe5: {  	v3 =	vld.idx.msk [tilespmem:v7+s6+$0x0], $0xffff  }
0xe6: {  	v2 =	vld.idx.msk [tilespmem:v8+s6+$0x0], $0xffff  }
0xe7: {  	s24 =	simm.s32 $0x80;
	v1 =	vld.idx.msk [tilespmem:v9+s6+$0x0], $0xffff;
	[tilespmem:s23+$0x1D770] =	vst v0  }
0xe8: {  	s22 =	sadd.s32 s22, s10;
	s25 =	simm.s32 $0x400;
	v0 =	vld [tilespmem:s24+$0x1B700];
	[tilespmem:s23+$0x1D700] =	vst v10  }
.LBB2_9:
0xe9: {  	p0 =	sne.s32 s25, $0x3E00;
	v7 =	vld [tilespmem:s24+$0x1B770];
	[tilespmem:s23+$0x1D710] =	vst v6  }
0xea: {  	v6 =	vld [tilespmem:s24+$0x1B710];
	[tilespmem:s23+$0x1D720] =	vst v5  }
0xeb: {  	v5 =	vld [tilespmem:s24+$0x1B720];
	[tilespmem:s23+$0x1D730] =	vst v4  }
0xec: {  	v4 =	vld [tilespmem:s24+$0x1B730];
	[tilespmem:s23+$0x1D740] =	vst v3  }
0xed: {  	v3 =	vld [tilespmem:s24+$0x1B740];
	[tilespmem:s23+$0x1D750] =	vst v2  }
0xee: {  	v2 =	vld [tilespmem:s24+$0x1B750];
	[tilespmem:s23+$0x1D760] =	vst v1;
	s23 =	smov.u32 s24  }
0xef: {  	v1 =	vld [tilespmem:s23+$0x1B760]  }
0xf0: {  	v8 =	vld.idx.msk [tilespmem:v0+s6+$0x0], $0xffff  }
0xf1: {  	v0 =	vld.idx.msk [tilespmem:v7+s6+$0x0], $0xffff  }
0xf2: {  	v6 =	vld.idx.msk [tilespmem:v6+s6+$0x0], $0xffff  }
0xf3: {  	v5 =	vld.idx.msk [tilespmem:v5+s6+$0x0], $0xffff  }
.Ltmp3:
0xf4: {  	v4 =	vld.idx.msk [tilespmem:v4+s6+$0x0], $0xffff;
	(pc) =	sbr.rel @p0 .LBB2_9-.Ltmp3, $4  }
0xf5: {  	v3 =	vld.idx.msk [tilespmem:v3+s6+$0x0], $0xffff  }
0xf6: {  	v2 =	vld.idx.msk [tilespmem:v2+s6+$0x0], $0xffff  }
0xf7: {  	s24 =	sshra.s32 s25, $0x2;
	v1 =	vld.idx.msk [tilespmem:v1+s6+$0x0], $0xffff;
	[tilespmem:s23+$0x1D770] =	vst v0  }
0xf8: {  	s25 =	sadd.s32 $0x200, s25;
	v0 =	vld [tilespmem:s24+$0x1B700];
	[tilespmem:s23+$0x1D700] =	vst v8  }
0xf9: {  	_ = 	snop  }
0xfa: {  	v7 =	vld [tilespmem:s24+$0x1B770];
	[tilespmem:s23+$0x1D710] =	vst v6  }
0xfb: {  	v6 =	vld [tilespmem:s24+$0x1B710];
	[tilespmem:s23+$0x1D720] =	vst v5  }
0xfc: {  	v5 =	vld [tilespmem:s24+$0x1B720];
	[tilespmem:s23+$0x1D730] =	vst v4  }
0xfd: {  	v4 =	vld [tilespmem:s24+$0x1B730];
	[tilespmem:s23+$0x1D740] =	vst v3  }
0xfe: {  	v3 =	vld [tilespmem:s24+$0x1B740];
	[tilespmem:s23+$0x1D750] =	vst v2  }
0xff: {  	v2 =	vld [tilespmem:s24+$0x1B750];
	[tilespmem:s23+$0x1D760] =	vst v1  }
0x100: {  	v1 =	vld [tilespmem:s24+$0x1B760]  }
0x101: {  	v0 =	vld.idx.msk [tilespmem:v0+s6+$0x0], $0xffff  }
0x102: {  	v7 =	vld.idx.msk [tilespmem:v7+s6+$0x0], $0xffff  }
0x103: {  	v6 =	vld.idx.msk [tilespmem:v6+s6+$0x0], $0xffff  }
0x104: {  	v5 =	vld.idx.msk [tilespmem:v5+s6+$0x0], $0xffff  }
0x105: {  	v4 =	vld.idx.msk [tilespmem:v4+s6+$0x0], $0xffff  }
0x106: {  	v3 =	vld.idx.msk [tilespmem:v3+s6+$0x0], $0xffff  }
0x107: {  	v2 =	vld.idx.msk [tilespmem:v2+s6+$0x0], $0xffff  }
0x108: {  	v1 =	vld.idx.msk [tilespmem:v1+s6+$0x0], $0xffff;
	[tilespmem:s24+$0x1D770] =	vst v7  }
0x109: {  	[tilespmem:s24+$0x1D700] =	vst v0  }
0x10a: {  	[tilespmem:s24+$0x1D710] =	vst v6  }
0x10b: {  	[tilespmem:s24+$0x1D720] =	vst v5  }
0x10c: {  	[tilespmem:s24+$0x1D730] =	vst v4  }
0x10d: {  	[tilespmem:s24+$0x1D740] =	vst v3  }
0x10e: {  	p0 =	seq.s32 s19, $0x19;
	[tilespmem:s24+$0x1D750] =	vst v2  }
0x10f: {  	s21 =	sadd.s32 @!p0 $0x1, s21;
	[tilespmem:s24+$0x1D760] =	vst v1  }
0x110: {  	[hbm4b:s22+s12] =	stream.strided.scatter [tilespmem:s16], [sflag:$0x2], $0x1000, s13, s12, $0x38;
	[tilespmem:$0x1E700] =	vst v63  }
0x111: {  	s22 =	sshrl.u32 @!p0 s21, $0x3  }
0x112: {  	s21 =	sshll.u32 @!p0 s21, $0x7;
	s22 =	smul.u32 @!p0 $0xC3800, s22  }
0x113: {  	s21 =	sand.u32 @!p0 $0x380, s21  }
0x114: {  	s19 =	sadd.s32 @!p0 $0x1, s19;
	s21 =	sor.u32 @!p0 s21, s22  }
0x115: {  	p1 =	sne.s32 @!p0 s19, $0x1A;
	s23 =	simm.s32 @!p0 $0x400;
	s21 =	sshrl.u32 @!p0 s21, $0x3  }
0x116: {  	s24 =	simm.s32 @!p0 $0x0;
	s22 =	simm.s32 @!p0 $0x80;
	s21 =	sadd.s32 @!p0 s2, s21  }
0x117: {  	[tilespmem:s24], [sflag:$0x1] =	stream.strided.gather @!p0 [hbm4b:s21+s22], $0x18700, s23, s22, $0x38;
	[tilespmem:$0x1E700] =	vst v63  }
0x118: {  	p0 =	por p0, !p1  }
.Ltmp4:
0x119: {  	_ = 	snop;
	(pc) =	sbr.rel @!p0 .LBB2_2-.Ltmp4, $1  }
0x11a: {  	_ =	sdelay $0x3  }
0x11b: {  	s18 =	sadd.s32 $0x1, s18  }
0x11c: {  	_ =	swait.ge [sflag:s17], $0x1000;
	p0 =	sne.s32 s18, s11  }
.Ltmp5:
0x11d: {  	[sflag:s17] =	ssyncset.done $0x0;
	(pc) =	sbr.rel @p0 .LBB2_1-.Ltmp5, $4  }
0x11e: {  	[sflag:s17] =	ssyncadd.s32 $0xFFFFF000  }
0x11f: {  	_ =	swait.ge [sflag:s17], $0x1000  }
0x120: {  	[sflag:s17] =	ssyncset.done $0x0  }
0x121: {  	[sflag:s17] =	ssyncadd.s32 $0xFFFFF000  }
0x122: {  	_ =	sfence.sel $0x180000  }
0x123: {  	[bflag:$0x0] =	sbarrier.arrive $0xFFFF  }
0x124: {  	p0 =	sne.s32 s0, $0x0;
	_ =	strace $0x90000047  }
0x125: {  	s0 =	sadd.s32 @!p0 $0x100000, s1;
	[bflag:$0x2] =	sbarrier.arrive $0xFFFF  }
0x126: {  	[sflag:s0] =	ssyncadd.tile.s32 @!p0 $0x1;
	_ =	shalt  }
.Lfunc_end2:
_tile_overlayer_lowered:
.L_overlay_start_2:
0x127: {  	(tag) =	ssettag $0x2  }
0x128: {  	s0 =	rddreg [dreg:$0x0];
	s2 =	stileid.u32  }
0x129: {  	s1 =	rddreg [dreg:$0x1];
	p0 =	sne.s32 s2, $0x0  }
0x12a: {  	s3 =	rddreg [dreg:$0x2];
	[bflag:$0x3] =	sbarrier.arrive $0xFFFF;
	s2 =	simm.s32 @!p0 $0x1C03  }
0x12b: {  	[timem:s3], [sflag:s2] =	dma.local @!p0 [hbm:s0], s1  }
0x12c: {  	s0 =	simm.s32 @!p0 $0x3  }
0x12d: {  	_ =	swait.ge @!p0 [sflag:s0], s1  }
0x12e: {  	s1 =	ssub.s32 @!p0 $0x0, s1;
	[sflag:s0] =	ssyncset.done @!p0 $0x0  }
0x12f: {  	[sflag:s0] =	ssyncadd.s32 @!p0 s1  }
0x130: {  	[bflag:$0x3] =	sbarrier.arrive $0xFFFF  }
0x131: {  	_ =	shalt  }

</sc_bundles>
